<compile_context>
chip_gen: v7x
topology: tpu7x:2x2x1
jax: 0.10.2.dev20260603
libtpu: 0.0.44.dev20260713+nightly
codegen_flags: <defaults>
</compile_context>

<pallas_src>
import functools
import jax
import jax.numpy as jnp
from jax import lax
from jax.experimental import pallas as pl
from jax.experimental.pallas import tpu as pltpu, tpu_sc as plsc

N_FLAT = 200 * 256
LANES = 16


def _sc_body(ew_hbm, pos_hbm, out_hbm, base_v, pos_v, sem):
    nc = 2
    wid = lax.axis_index("s") * nc + lax.axis_index("c")
    pltpu.sync_copy(ew_hbm, base_v)
    pltpu.sync_copy(pos_hbm, pos_v)

    def add_body(i, carry):
        sl = pl.ds(i * LANES, LANES)
        base_v[sl] = base_v[sl] + pos_v[sl]
        return carry

    lax.fori_loop(0, N_FLAT // LANES, add_body, 0)

    bpw = 1024 // 32
    copies = []
    for j in range(bpw):
        b = wid * bpw + j
        copies.append(
            pltpu.async_copy(base_v, out_hbm.at[pl.ds(b * N_FLAT, N_FLAT)], sem)
        )
    for c in copies:
        c.wait()


def kernel(x, embed_weight, pos):
    b = x.shape[0]
    n, d = embed_weight.shape
    mesh = plsc.VectorSubcoreMesh(core_axis_name="c", subcore_axis_name="s")
    k = functools.partial(
        pl.kernel,
        mesh=mesh,
        out_type=jax.ShapeDtypeStruct((b * n * d,), jnp.float32),
        scratch_types=[
            pltpu.VMEM((n * d,), jnp.float32),
            pltpu.VMEM((n * d,), jnp.float32),
            pltpu.SemaphoreType.DMA,
        ],
    )(_sc_body)
    out = k(embed_weight.reshape(-1), pos.reshape(-1))
    return out.reshape(b, n, d)

# --- scband reference (transcript-rebuilt; emitter-appended) ---
"""Pipeline reference for scband-positional-embedding-87256555586166 (READ-ONLY COPY).

The authoritative reference and input builder live on the scoring server;
editing this copy changes nothing except your own understanding.
"""

import jax, jax.numpy as jnp
import numpy as np

N_CTRL = 200
D_MODEL = 256
BATCH = 1024

def setup_inputs(seed: int = 0) -> dict:
    key = jax.random.key(seed)
    k1, k2 = jax.random.split(key)
    x = jax.random.normal(k1, (BATCH, N_CTRL, D_MODEL), dtype=jnp.float32)
    # nn.Embedding weight init ~ N(0,1)
    embed_weight = jax.random.normal(k2, (N_CTRL, D_MODEL), dtype=jnp.float32)
    # pos buffer: torch.linspace(0,1,n).repeat(d_model,1).T -> [n, d_model], each row constant
    pos = jnp.tile(jnp.linspace(0.0, 1.0, N_CTRL, dtype=jnp.float32)[:, None], (1, D_MODEL))
    return {"x": x, "embed_weight": embed_weight, "pos": pos}

def reference(x, embed_weight, pos):
    b = x.shape[0]
    base = embed_weight + pos  # [n_controlpoints, d_model]
    tgt = jnp.tile(base[None, :, :], (b, 1, 1))  # repeat(b, 1, 1)
    return tgt

if __name__ == "__main__":
    import jax
    _d = setup_inputs()
    print(jax.jit(kernel)(*tuple(_d.values())))

</pallas_src>

<mosaic_0001>
#map = affine_map<(d0, d1) -> (0)>
module attributes {stable_mosaic.version = 14 : i64} {
  func.func @_sc_body(%arg0: i32, %arg1: i32, %arg2: memref<51200xf32, #tpu.memory_space<hbm>>, %arg3: memref<51200xf32, #tpu.memory_space<hbm>>, %arg4: memref<52428800xf32, #tpu.memory_space<hbm>>, %arg5: memref<51200xf32, #tpu.memory_space<vmem>>, %arg6: memref<51200xf32, #tpu.memory_space<vmem>>, %arg7: memref<!tpu.dma_semaphore, #tpu.memory_space<semaphore_mem>>) attributes {dimension_semantics = [#tpu.dimension_semantics<core_parallel>, #tpu.dimension_semantics<subcore_parallel>], iteration_bounds = array<i64: 2, 16>, scalar_prefetch = 0 : i64, scratch_operands = 3 : i64, tpu.core_type = #tpu.core_type<sc_vector_subcore>, window_params = [{transform_indices = #map}, {transform_indices = #map}, {transform_indices = #map}]} {
    %mul3A = arith.constant 2 : i32
    %mul3A_0 = arith.muli %arg1, %mul3A : i32
    %add3A = arith.addi %mul3A_0, %arg0 : i32
    "tpu.region"() ({
      %run_scoped3A = tpu.sem_alloc : memref<!tpu.dma_semaphore, #tpu.memory_space<semaphore_mem>>
      tpu.enqueue_dma source(%arg2 : memref<51200xf32, #tpu.memory_space<hbm>>) target(%arg5 : memref<51200xf32, #tpu.memory_space<vmem>>) target_semaphore(%run_scoped3A : memref<!tpu.dma_semaphore, #tpu.memory_space<semaphore_mem>>)
      tpu.wait_dma2 semaphore(%run_scoped3A : memref<!tpu.dma_semaphore, #tpu.memory_space<semaphore_mem>>) src(%arg2 : memref<51200xf32, #tpu.memory_space<hbm>>) dst(%arg5 : memref<51200xf32, #tpu.memory_space<vmem>>)
      tpu.yield
    }) : () -> ()
    "tpu.region"() ({
      %run_scoped3A = tpu.sem_alloc : memref<!tpu.dma_semaphore, #tpu.memory_space<semaphore_mem>>
      tpu.enqueue_dma source(%arg3 : memref<51200xf32, #tpu.memory_space<hbm>>) target(%arg6 : memref<51200xf32, #tpu.memory_space<vmem>>) target_semaphore(%run_scoped3A : memref<!tpu.dma_semaphore, #tpu.memory_space<semaphore_mem>>)
      tpu.wait_dma2 semaphore(%run_scoped3A : memref<!tpu.dma_semaphore, #tpu.memory_space<semaphore_mem>>) src(%arg3 : memref<51200xf32, #tpu.memory_space<hbm>>) dst(%arg6 : memref<51200xf32, #tpu.memory_space<vmem>>)
      tpu.yield
    }) : () -> ()
    %scan3A = arith.constant 0 : i32
    %scan3A_1 = arith.constant 0 : i32
    %scan3A_2 = arith.constant 3200 : i32
    %scan3A_3 = arith.addi %scan3A_1, %scan3A_2 : i32
    %scan3A_4 = arith.constant 1 : i32
    scf.for %scan3A_324 = %scan3A_1 to %scan3A_3 step %scan3A_4  : i32 {
      %mul3A_325 = arith.constant 16 : i32
      %mul3A_326 = arith.muli %scan3A_324, %mul3A_325 : i32
      %get3A = arith.index_cast %mul3A_326 : i32 to index
      %get3A_327 = tpu.vector_load %arg5[%get3A] {strides = array<i32>} : memref<51200xf32, #tpu.memory_space<vmem>>, vector<16xf32>,
      %get3A_328 = vector.shape_cast %get3A_327 : vector<16xf32> to vector<16xf32>
      %get3A_329 = arith.index_cast %mul3A_326 : i32 to index
      %get3A_330 = tpu.vector_load %arg6[%get3A_329] {strides = array<i32>} : memref<51200xf32, #tpu.memory_space<vmem>>, vector<16xf32>,
      %get3A_331 = vector.shape_cast %get3A_330 : vector<16xf32> to vector<16xf32>
      %add3A_332 = arith.addf %get3A_328, %get3A_331 : vector<16xf32>
      %swap3A = arith.index_cast %mul3A_326 : i32 to index
      %swap3A_333 = tpu.vector_load %arg5[%swap3A] {strides = array<i32>} : memref<51200xf32, #tpu.memory_space<vmem>>, vector<16xf32>,
      %swap3A_334 = vector.shape_cast %swap3A_333 : vector<16xf32> to vector<16xf32>
      %swap3A_335 = vector.shape_cast %add3A_332 : vector<16xf32> to vector<16xf32>
      tpu.vector_store %arg5[%swap3A], %swap3A_335 {strides = array<i32>} : memref<51200xf32, #tpu.memory_space<vmem>>, vector<16xf32>,
    }
    %scan3A_5 = arith.constant 3200 : i32
    %mul3A_6 = arith.constant 32 : i32
    %mul3A_7 = arith.muli %add3A, %mul3A_6 : i32
    %add3A_8 = arith.constant 0 : i32
    %add3A_9 = arith.addi %mul3A_7, %add3A_8 : i32
    %mul3A_10 = arith.constant 51200 : i32
    %mul3A_11 = arith.muli %add3A_9, %mul3A_10 : i32
    %dma_start3A = tpu.memref_slice %arg4[%mul3A_11] : memref<52428800xf32, #tpu.memory_space<hbm>> -> memref<51200xf32, #tpu.memory_space<hbm>>
    %dma_start3A_12 = tpu.memref_slice %arg4[%mul3A_11] : memref<52428800xf32, #tpu.memory_space<hbm>> -> memref<51200xf32, #tpu.memory_space<hbm>>
    tpu.enqueue_dma source(%arg5 : memref<51200xf32, #tpu.memory_space<vmem>>) target(%dma_start3A_12 : memref<51200xf32, #tpu.memory_space<hbm>>) target_semaphore(%arg7 : memref<!tpu.dma_semaphore, #tpu.memory_space<semaphore_mem>>)
    %mul3A_13 = arith.constant 32 : i32
    %mul3A_14 = arith.muli %add3A, %mul3A_13 : i32
    %add3A_15 = arith.constant 1 : i32
    %add3A_16 = arith.addi %mul3A_14, %add3A_15 : i32
    %mul3A_17 = arith.constant 51200 : i32
    %mul3A_18 = arith.muli %add3A_16, %mul3A_17 : i32
    %dma_start3A_19 = tpu.memref_slice %arg4[%mul3A_18] : memref<52428800xf32, #tpu.memory_space<hbm>> -> memref<51200xf32, #tpu.memory_space<hbm>>
    %dma_start3A_20 = tpu.memref_slice %arg4[%mul3A_18] : memref<52428800xf32, #tpu.memory_space<hbm>> -> memref<51200xf32, #tpu.memory_space<hbm>>
    tpu.enqueue_dma source(%arg5 : memref<51200xf32, #tpu.memory_space<vmem>>) target(%dma_start3A_20 : memref<51200xf32, #tpu.memory_space<hbm>>) target_semaphore(%arg7 : memref<!tpu.dma_semaphore, #tpu.memory_space<semaphore_mem>>)
    %mul3A_21 = arith.constant 32 : i32
    %mul3A_22 = arith.muli %add3A, %mul3A_21 : i32
    %add3A_23 = arith.constant 2 : i32
    %add3A_24 = arith.addi %mul3A_22, %add3A_23 : i32
    %mul3A_25 = arith.constant 51200 : i32
    %mul3A_26 = arith.muli %add3A_24, %mul3A_25 : i32
    %dma_start3A_27 = tpu.memref_slice %arg4[%mul3A_26] : memref<52428800xf32, #tpu.memory_space<hbm>> -> memref<51200xf32, #tpu.memory_space<hbm>>
    %dma_start3A_28 = tpu.memref_slice %arg4[%mul3A_26] : memref<52428800xf32, #tpu.memory_space<hbm>> -> memref<51200xf32, #tpu.memory_space<hbm>>
    tpu.enqueue_dma source(%arg5 : memref<51200xf32, #tpu.memory_space<vmem>>) target(%dma_start3A_28 : memref<51200xf32, #tpu.memory_space<hbm>>) target_semaphore(%arg7 : memref<!tpu.dma_semaphore, #tpu.memory_space<semaphore_mem>>)
    %mul3A_29 = arith.constant 32 : i32
    %mul3A_30 = arith.muli %add3A, %mul3A_29 : i32
    %add3A_31 = arith.constant 3 : i32
    %add3A_32 = arith.addi %mul3A_30, %add3A_31 : i32
    %mul3A_33 = arith.constant 51200 : i32
    %mul3A_34 = arith.muli %add3A_32, %mul3A_33 : i32
    %dma_start3A_35 = tpu.memref_slice %arg4[%mul3A_34] : memref<52428800xf32, #tpu.memory_space<hbm>> -> memref<51200xf32, #tpu.memory_space<hbm>>
    %dma_start3A_36 = tpu.memref_slice %arg4[%mul3A_34] : memref<52428800xf32, #tpu.memory_space<hbm>> -> memref<51200xf32, #tpu.memory_space<hbm>>
    tpu.enqueue_dma source(%arg5 : memref<51200xf32, #tpu.memory_space<vmem>>) target(%dma_start3A_36 : memref<51200xf32, #tpu.memory_space<hbm>>) target_semaphore(%arg7 : memref<!tpu.dma_semaphore, #tpu.memory_space<semaphore_mem>>)
    %mul3A_37 = arith.constant 32 : i32
    %mul3A_38 = arith.muli %add3A, %mul3A_37 : i32
    %add3A_39 = arith.constant 4 : i32
    %add3A_40 = arith.addi %mul3A_38, %add3A_39 : i32
    %mul3A_41 = arith.constant 51200 : i32
    %mul3A_42 = arith.muli %add3A_40, %mul3A_41 : i32
    %dma_start3A_43 = tpu.memref_slice %arg4[%mul3A_42] : memref<52428800xf32, #tpu.memory_space<hbm>> -> memref<51200xf32, #tpu.memory_space<hbm>>
    %dma_start3A_44 = tpu.memref_slice %arg4[%mul3A_42] : memref<52428800xf32, #tpu.memory_space<hbm>> -> memref<51200xf32, #tpu.memory_space<hbm>>
    tpu.enqueue_dma source(%arg5 : memref<51200xf32, #tpu.memory_space<vmem>>) target(%dma_start3A_44 : memref<51200xf32, #tpu.memory_space<hbm>>) target_semaphore(%arg7 : memref<!tpu.dma_semaphore, #tpu.memory_space<semaphore_mem>>)
    %mul3A_45 = arith.constant 32 : i32
    %mul3A_46 = arith.muli %add3A, %mul3A_45 : i32
    %add3A_47 = arith.constant 5 : i32
    %add3A_48 = arith.addi %mul3A_46, %add3A_47 : i32
    %mul3A_49 = arith.constant 51200 : i32
    %mul3A_50 = arith.muli %add3A_48, %mul3A_49 : i32
    %dma_start3A_51 = tpu.memref_slice %arg4[%mul3A_50] : memref<52428800xf32, #tpu.memory_space<hbm>> -> memref<51200xf32, #tpu.memory_space<hbm>>
    %dma_start3A_52 = tpu.memref_slice %arg4[%mul3A_50] : memref<52428800xf32, #tpu.memory_space<hbm>> -> memref<51200xf32, #tpu.memory_space<hbm>>
    tpu.enqueue_dma source(%arg5 : memref<51200xf32, #tpu.memory_space<vmem>>) target(%dma_start3A_52 : memref<51200xf32, #tpu.memory_space<hbm>>) target_semaphore(%arg7 : memref<!tpu.dma_semaphore, #tpu.memory_space<semaphore_mem>>)
    %mul3A_53 = arith.constant 32 : i32
    %mul3A_54 = arith.muli %add3A, %mul3A_53 : i32
    %add3A_55 = arith.constant 6 : i32
    %add3A_56 = arith.addi %mul3A_54, %add3A_55 : i32
    %mul3A_57 = arith.constant 51200 : i32
    %mul3A_58 = arith.muli %add3A_56, %mul3A_57 : i32
    %dma_start3A_59 = tpu.memref_slice %arg4[%mul3A_58] : memref<52428800xf32, #tpu.memory_space<hbm>> -> memref<51200xf32, #tpu.memory_space<hbm>>
    %dma_start3A_60 = tpu.memref_slice %arg4[%mul3A_58] : memref<52428800xf32, #tpu.memory_space<hbm>> -> memref<51200xf32, #tpu.memory_space<hbm>>
    tpu.enqueue_dma source(%arg5 : memref<51200xf32, #tpu.memory_space<vmem>>) target(%dma_start3A_60 : memref<51200xf32, #tpu.memory_space<hbm>>) target_semaphore(%arg7 : memref<!tpu.dma_semaphore, #tpu.memory_space<semaphore_mem>>)
    %mul3A_61 = arith.constant 32 : i32
    %mul3A_62 = arith.muli %add3A, %mul3A_61 : i32
    %add3A_63 = arith.constant 7 : i32
    %add3A_64 = arith.addi %mul3A_62, %add3A_63 : i32
    %mul3A_65 = arith.constant 51200 : i32
    %mul3A_66 = arith.muli %add3A_64, %mul3A_65 : i32
    %dma_start3A_67 = tpu.memref_slice %arg4[%mul3A_66] : memref<52428800xf32, #tpu.memory_space<hbm>> -> memref<51200xf32, #tpu.memory_space<hbm>>
    %dma_start3A_68 = tpu.memref_slice %arg4[%mul3A_66] : memref<52428800xf32, #tpu.memory_space<hbm>> -> memref<51200xf32, #tpu.memory_space<hbm>>
    tpu.enqueue_dma source(%arg5 : memref<51200xf32, #tpu.memory_space<vmem>>) target(%dma_start3A_68 : memref<51200xf32, #tpu.memory_space<hbm>>) target_semaphore(%arg7 : memref<!tpu.dma_semaphore, #tpu.memory_space<semaphore_mem>>)
    %mul3A_69 = arith.constant 32 : i32
    %mul3A_70 = arith.muli %add3A, %mul3A_69 : i32
    %add3A_71 = arith.constant 8 : i32
    %add3A_72 = arith.addi %mul3A_70, %add3A_71 : i32
    %mul3A_73 = arith.constant 51200 : i32
    %mul3A_74 = arith.muli %add3A_72, %mul3A_73 : i32
    %dma_start3A_75 = tpu.memref_slice %arg4[%mul3A_74] : memref<52428800xf32, #tpu.memory_space<hbm>> -> memref<51200xf32, #tpu.memory_space<hbm>>
    %dma_start3A_76 = tpu.memref_slice %arg4[%mul3A_74] : memref<52428800xf32, #tpu.memory_space<hbm>> -> memref<51200xf32, #tpu.memory_space<hbm>>
    tpu.enqueue_dma source(%arg5 : memref<51200xf32, #tpu.memory_space<vmem>>) target(%dma_start3A_76 : memref<51200xf32, #tpu.memory_space<hbm>>) target_semaphore(%arg7 : memref<!tpu.dma_semaphore, #tpu.memory_space<semaphore_mem>>)
    %mul3A_77 = arith.constant 32 : i32
    %mul3A_78 = arith.muli %add3A, %mul3A_77 : i32
    %add3A_79 = arith.constant 9 : i32
    %add3A_80 = arith.addi %mul3A_78, %add3A_79 : i32
    %mul3A_81 = arith.constant 51200 : i32
    %mul3A_82 = arith.muli %add3A_80, %mul3A_81 : i32
    %dma_start3A_83 = tpu.memref_slice %arg4[%mul3A_82] : memref<52428800xf32, #tpu.memory_space<hbm>> -> memref<51200xf32, #tpu.memory_space<hbm>>
    %dma_start3A_84 = tpu.memref_slice %arg4[%mul3A_82] : memref<52428800xf32, #tpu.memory_space<hbm>> -> memref<51200xf32, #tpu.memory_space<hbm>>
    tpu.enqueue_dma source(%arg5 : memref<51200xf32, #tpu.memory_space<vmem>>) target(%dma_start3A_84 : memref<51200xf32, #tpu.memory_space<hbm>>) target_semaphore(%arg7 : memref<!tpu.dma_semaphore, #tpu.memory_space<semaphore_mem>>)
    %mul3A_85 = arith.constant 32 : i32
    %mul3A_86 = arith.muli %add3A, %mul3A_85 : i32
    %add3A_87 = arith.constant 10 : i32
    %add3A_88 = arith.addi %mul3A_86, %add3A_87 : i32
    %mul3A_89 = arith.constant 51200 : i32
    %mul3A_90 = arith.muli %add3A_88, %mul3A_89 : i32
    %dma_start3A_91 = tpu.memref_slice %arg4[%mul3A_90] : memref<52428800xf32, #tpu.memory_space<hbm>> -> memref<51200xf32, #tpu.memory_space<hbm>>
    %dma_start3A_92 = tpu.memref_slice %arg4[%mul3A_90] : memref<52428800xf32, #tpu.memory_space<hbm>> -> memref<51200xf32, #tpu.memory_space<hbm>>
    tpu.enqueue_dma source(%arg5 : memref<51200xf32, #tpu.memory_space<vmem>>) target(%dma_start3A_92 : memref<51200xf32, #tpu.memory_space<hbm>>) target_semaphore(%arg7 : memref<!tpu.dma_semaphore, #tpu.memory_space<semaphore_mem>>)
    %mul3A_93 = arith.constant 32 : i32
    %mul3A_94 = arith.muli %add3A, %mul3A_93 : i32
    %add3A_95 = arith.constant 11 : i32
    %add3A_96 = arith.addi %mul3A_94, %add3A_95 : i32
    %mul3A_97 = arith.constant 51200 : i32
    %mul3A_98 = arith.muli %add3A_96, %mul3A_97 : i32
    %dma_start3A_99 = tpu.memref_slice %arg4[%mul3A_98] : memref<52428800xf32, #tpu.memory_space<hbm>> -> memref<51200xf32, #tpu.memory_space<hbm>>
    %dma_start3A_100 = tpu.memref_slice %arg4[%mul3A_98] : memref<52428800xf32, #tpu.memory_space<hbm>> -> memref<51200xf32, #tpu.memory_space<hbm>>
    tpu.enqueue_dma source(%arg5 : memref<51200xf32, #tpu.memory_space<vmem>>) target(%dma_start3A_100 : memref<51200xf32, #tpu.memory_space<hbm>>) target_semaphore(%arg7 : memref<!tpu.dma_semaphore, #tpu.memory_space<semaphore_mem>>)
    %mul3A_101 = arith.constant 32 : i32
    %mul3A_102 = arith.muli %add3A, %mul3A_101 : i32
    %add3A_103 = arith.constant 12 : i32
    %add3A_104 = arith.addi %mul3A_102, %add3A_103 : i32
    %mul3A_105 = arith.constant 51200 : i32
    %mul3A_106 = arith.muli %add3A_104, %mul3A_105 : i32
    %dma_start3A_107 = tpu.memref_slice %arg4[%mul3A_106] : memref<52428800xf32, #tpu.memory_space<hbm>> -> memref<51200xf32, #tpu.memory_space<hbm>>
    %dma_start3A_108 = tpu.memref_slice %arg4[%mul3A_106] : memref<52428800xf32, #tpu.memory_space<hbm>> -> memref<51200xf32, #tpu.memory_space<hbm>>
    tpu.enqueue_dma source(%arg5 : memref<51200xf32, #tpu.memory_space<vmem>>) target(%dma_start3A_108 : memref<51200xf32, #tpu.memory_space<hbm>>) target_semaphore(%arg7 : memref<!tpu.dma_semaphore, #tpu.memory_space<semaphore_mem>>)
    %mul3A_109 = arith.constant 32 : i32
    %mul3A_110 = arith.muli %add3A, %mul3A_109 : i32
    %add3A_111 = arith.constant 13 : i32
    %add3A_112 = arith.addi %mul3A_110, %add3A_111 : i32
    %mul3A_113 = arith.constant 51200 : i32
    %mul3A_114 = arith.muli %add3A_112, %mul3A_113 : i32
    %dma_start3A_115 = tpu.memref_slice %arg4[%mul3A_114] : memref<52428800xf32, #tpu.memory_space<hbm>> -> memref<51200xf32, #tpu.memory_space<hbm>>
    %dma_start3A_116 = tpu.memref_slice %arg4[%mul3A_114] : memref<52428800xf32, #tpu.memory_space<hbm>> -> memref<51200xf32, #tpu.memory_space<hbm>>
    tpu.enqueue_dma source(%arg5 : memref<51200xf32, #tpu.memory_space<vmem>>) target(%dma_start3A_116 : memref<51200xf32, #tpu.memory_space<hbm>>) target_semaphore(%arg7 : memref<!tpu.dma_semaphore, #tpu.memory_space<semaphore_mem>>)
    %mul3A_117 = arith.constant 32 : i32
    %mul3A_118 = arith.muli %add3A, %mul3A_117 : i32
    %add3A_119 = arith.constant 14 : i32
    %add3A_120 = arith.addi %mul3A_118, %add3A_119 : i32
    %mul3A_121 = arith.constant 51200 : i32
    %mul3A_122 = arith.muli %add3A_120, %mul3A_121 : i32
    %dma_start3A_123 = tpu.memref_slice %arg4[%mul3A_122] : memref<52428800xf32, #tpu.memory_space<hbm>> -> memref<51200xf32, #tpu.memory_space<hbm>>
    %dma_start3A_124 = tpu.memref_slice %arg4[%mul3A_122] : memref<52428800xf32, #tpu.memory_space<hbm>> -> memref<51200xf32, #tpu.memory_space<hbm>>
    tpu.enqueue_dma source(%arg5 : memref<51200xf32, #tpu.memory_space<vmem>>) target(%dma_start3A_124 : memref<51200xf32, #tpu.memory_space<hbm>>) target_semaphore(%arg7 : memref<!tpu.dma_semaphore, #tpu.memory_space<semaphore_mem>>)
    %mul3A_125 = arith.constant 32 : i32
    %mul3A_126 = arith.muli %add3A, %mul3A_125 : i32
    %add3A_127 = arith.constant 15 : i32
    %add3A_128 = arith.addi %mul3A_126, %add3A_127 : i32
    %mul3A_129 = arith.constant 51200 : i32
    %mul3A_130 = arith.muli %add3A_128, %mul3A_129 : i32
    %dma_start3A_131 = tpu.memref_slice %arg4[%mul3A_130] : memref<52428800xf32, #tpu.memory_space<hbm>> -> memref<51200xf32, #tpu.memory_space<hbm>>
    %dma_start3A_132 = tpu.memref_slice %arg4[%mul3A_130] : memref<52428800xf32, #tpu.memory_space<hbm>> -> memref<51200xf32, #tpu.memory_space<hbm>>
    tpu.enqueue_dma source(%arg5 : memref<51200xf32, #tpu.memory_space<vmem>>) target(%dma_start3A_132 : memref<51200xf32, #tpu.memory_space<hbm>>) target_semaphore(%arg7 : memref<!tpu.dma_semaphore, #tpu.memory_space<semaphore_mem>>)
    %mul3A_133 = arith.constant 32 : i32
    %mul3A_134 = arith.muli %add3A, %mul3A_133 : i32
    %add3A_135 = arith.constant 16 : i32
    %add3A_136 = arith.addi %mul3A_134, %add3A_135 : i32
    %mul3A_137 = arith.constant 51200 : i32
    %mul3A_138 = arith.muli %add3A_136, %mul3A_137 : i32
    %dma_start3A_139 = tpu.memref_slice %arg4[%mul3A_138] : memref<52428800xf32, #tpu.memory_space<hbm>> -> memref<51200xf32, #tpu.memory_space<hbm>>
    %dma_start3A_140 = tpu.memref_slice %arg4[%mul3A_138] : memref<52428800xf32, #tpu.memory_space<hbm>> -> memref<51200xf32, #tpu.memory_space<hbm>>
    tpu.enqueue_dma source(%arg5 : memref<51200xf32, #tpu.memory_space<vmem>>) target(%dma_start3A_140 : memref<51200xf32, #tpu.memory_space<hbm>>) target_semaphore(%arg7 : memref<!tpu.dma_semaphore, #tpu.memory_space<semaphore_mem>>)
    %mul3A_141 = arith.constant 32 : i32
    %mul3A_142 = arith.muli %add3A, %mul3A_141 : i32
    %add3A_143 = arith.constant 17 : i32
    %add3A_144 = arith.addi %mul3A_142, %add3A_143 : i32
    %mul3A_145 = arith.constant 51200 : i32
    %mul3A_146 = arith.muli %add3A_144, %mul3A_145 : i32
    %dma_start3A_147 = tpu.memref_slice %arg4[%mul3A_146] : memref<52428800xf32, #tpu.memory_space<hbm>> -> memref<51200xf32, #tpu.memory_space<hbm>>
    %dma_start3A_148 = tpu.memref_slice %arg4[%mul3A_146] : memref<52428800xf32, #tpu.memory_space<hbm>> -> memref<51200xf32, #tpu.memory_space<hbm>>
    tpu.enqueue_dma source(%arg5 : memref<51200xf32, #tpu.memory_space<vmem>>) target(%dma_start3A_148 : memref<51200xf32, #tpu.memory_space<hbm>>) target_semaphore(%arg7 : memref<!tpu.dma_semaphore, #tpu.memory_space<semaphore_mem>>)
    %mul3A_149 = arith.constant 32 : i32
    %mul3A_150 = arith.muli %add3A, %mul3A_149 : i32
    %add3A_151 = arith.constant 18 : i32
    %add3A_152 = arith.addi %mul3A_150, %add3A_151 : i32
    %mul3A_153 = arith.constant 51200 : i32
    %mul3A_154 = arith.muli %add3A_152, %mul3A_153 : i32
    %dma_start3A_155 = tpu.memref_slice %arg4[%mul3A_154] : memref<52428800xf32, #tpu.memory_space<hbm>> -> memref<51200xf32, #tpu.memory_space<hbm>>
    %dma_start3A_156 = tpu.memref_slice %arg4[%mul3A_154] : memref<52428800xf32, #tpu.memory_space<hbm>> -> memref<51200xf32, #tpu.memory_space<hbm>>
    tpu.enqueue_dma source(%arg5 : memref<51200xf32, #tpu.memory_space<vmem>>) target(%dma_start3A_156 : memref<51200xf32, #tpu.memory_space<hbm>>) target_semaphore(%arg7 : memref<!tpu.dma_semaphore, #tpu.memory_space<semaphore_mem>>)
    %mul3A_157 = arith.constant 32 : i32
    %mul3A_158 = arith.muli %add3A, %mul3A_157 : i32
    %add3A_159 = arith.constant 19 : i32
    %add3A_160 = arith.addi %mul3A_158, %add3A_159 : i32
    %mul3A_161 = arith.constant 51200 : i32
    %mul3A_162 = arith.muli %add3A_160, %mul3A_161 : i32
    %dma_start3A_163 = tpu.memref_slice %arg4[%mul3A_162] : memref<52428800xf32, #tpu.memory_space<hbm>> -> memref<51200xf32, #tpu.memory_space<hbm>>
    %dma_start3A_164 = tpu.memref_slice %arg4[%mul3A_162] : memref<52428800xf32, #tpu.memory_space<hbm>> -> memref<51200xf32, #tpu.memory_space<hbm>>
    tpu.enqueue_dma source(%arg5 : memref<51200xf32, #tpu.memory_space<vmem>>) target(%dma_start3A_164 : memref<51200xf32, #tpu.memory_space<hbm>>) target_semaphore(%arg7 : memref<!tpu.dma_semaphore, #tpu.memory_space<semaphore_mem>>)
    %mul3A_165 = arith.constant 32 : i32
    %mul3A_166 = arith.muli %add3A, %mul3A_165 : i32
    %add3A_167 = arith.constant 20 : i32
    %add3A_168 = arith.addi %mul3A_166, %add3A_167 : i32
    %mul3A_169 = arith.constant 51200 : i32
    %mul3A_170 = arith.muli %add3A_168, %mul3A_169 : i32
    %dma_start3A_171 = tpu.memref_slice %arg4[%mul3A_170] : memref<52428800xf32, #tpu.memory_space<hbm>> -> memref<51200xf32, #tpu.memory_space<hbm>>
    %dma_start3A_172 = tpu.memref_slice %arg4[%mul3A_170] : memref<52428800xf32, #tpu.memory_space<hbm>> -> memref<51200xf32, #tpu.memory_space<hbm>>
    tpu.enqueue_dma source(%arg5 : memref<51200xf32, #tpu.memory_space<vmem>>) target(%dma_start3A_172 : memref<51200xf32, #tpu.memory_space<hbm>>) target_semaphore(%arg7 : memref<!tpu.dma_semaphore, #tpu.memory_space<semaphore_mem>>)
    %mul3A_173 = arith.constant 32 : i32
    %mul3A_174 = arith.muli %add3A, %mul3A_173 : i32
    %add3A_175 = arith.constant 21 : i32
    %add3A_176 = arith.addi %mul3A_174, %add3A_175 : i32
    %mul3A_177 = arith.constant 51200 : i32
    %mul3A_178 = arith.muli %add3A_176, %mul3A_177 : i32
    %dma_start3A_179 = tpu.memref_slice %arg4[%mul3A_178] : memref<52428800xf32, #tpu.memory_space<hbm>> -> memref<51200xf32, #tpu.memory_space<hbm>>
    %dma_start3A_180 = tpu.memref_slice %arg4[%mul3A_178] : memref<52428800xf32, #tpu.memory_space<hbm>> -> memref<51200xf32, #tpu.memory_space<hbm>>
    tpu.enqueue_dma source(%arg5 : memref<51200xf32, #tpu.memory_space<vmem>>) target(%dma_start3A_180 : memref<51200xf32, #tpu.memory_space<hbm>>) target_semaphore(%arg7 : memref<!tpu.dma_semaphore, #tpu.memory_space<semaphore_mem>>)
    %mul3A_181 = arith.constant 32 : i32
    %mul3A_182 = arith.muli %add3A, %mul3A_181 : i32
    %add3A_183 = arith.constant 22 : i32
    %add3A_184 = arith.addi %mul3A_182, %add3A_183 : i32
    %mul3A_185 = arith.constant 51200 : i32
    %mul3A_186 = arith.muli %add3A_184, %mul3A_185 : i32
    %dma_start3A_187 = tpu.memref_slice %arg4[%mul3A_186] : memref<52428800xf32, #tpu.memory_space<hbm>> -> memref<51200xf32, #tpu.memory_space<hbm>>
    %dma_start3A_188 = tpu.memref_slice %arg4[%mul3A_186] : memref<52428800xf32, #tpu.memory_space<hbm>> -> memref<51200xf32, #tpu.memory_space<hbm>>
    tpu.enqueue_dma source(%arg5 : memref<51200xf32, #tpu.memory_space<vmem>>) target(%dma_start3A_188 : memref<51200xf32, #tpu.memory_space<hbm>>) target_semaphore(%arg7 : memref<!tpu.dma_semaphore, #tpu.memory_space<semaphore_mem>>)
    %mul3A_189 = arith.constant 32 : i32
    %mul3A_190 = arith.muli %add3A, %mul3A_189 : i32
    %add3A_191 = arith.constant 23 : i32
    %add3A_192 = arith.addi %mul3A_190, %add3A_191 : i32
    %mul3A_193 = arith.constant 51200 : i32
    %mul3A_194 = arith.muli %add3A_192, %mul3A_193 : i32
    %dma_start3A_195 = tpu.memref_slice %arg4[%mul3A_194] : memref<52428800xf32, #tpu.memory_space<hbm>> -> memref<51200xf32, #tpu.memory_space<hbm>>
    %dma_start3A_196 = tpu.memref_slice %arg4[%mul3A_194] : memref<52428800xf32, #tpu.memory_space<hbm>> -> memref<51200xf32, #tpu.memory_space<hbm>>
    tpu.enqueue_dma source(%arg5 : memref<51200xf32, #tpu.memory_space<vmem>>) target(%dma_start3A_196 : memref<51200xf32, #tpu.memory_space<hbm>>) target_semaphore(%arg7 : memref<!tpu.dma_semaphore, #tpu.memory_space<semaphore_mem>>)
    %mul3A_197 = arith.constant 32 : i32
    %mul3A_198 = arith.muli %add3A, %mul3A_197 : i32
    %add3A_199 = arith.constant 24 : i32
    %add3A_200 = arith.addi %mul3A_198, %add3A_199 : i32
    %mul3A_201 = arith.constant 51200 : i32
    %mul3A_202 = arith.muli %add3A_200, %mul3A_201 : i32
    %dma_start3A_203 = tpu.memref_slice %arg4[%mul3A_202] : memref<52428800xf32, #tpu.memory_space<hbm>> -> memref<51200xf32, #tpu.memory_space<hbm>>
    %dma_start3A_204 = tpu.memref_slice %arg4[%mul3A_202] : memref<52428800xf32, #tpu.memory_space<hbm>> -> memref<51200xf32, #tpu.memory_space<hbm>>
    tpu.enqueue_dma source(%arg5 : memref<51200xf32, #tpu.memory_space<vmem>>) target(%dma_start3A_204 : memref<51200xf32, #tpu.memory_space<hbm>>) target_semaphore(%arg7 : memref<!tpu.dma_semaphore, #tpu.memory_space<semaphore_mem>>)
    %mul3A_205 = arith.constant 32 : i32
    %mul3A_206 = arith.muli %add3A, %mul3A_205 : i32
    %add3A_207 = arith.constant 25 : i32
    %add3A_208 = arith.addi %mul3A_206, %add3A_207 : i32
    %mul3A_209 = arith.constant 51200 : i32
    %mul3A_210 = arith.muli %add3A_208, %mul3A_209 : i32
    %dma_start3A_211 = tpu.memref_slice %arg4[%mul3A_210] : memref<52428800xf32, #tpu.memory_space<hbm>> -> memref<51200xf32, #tpu.memory_space<hbm>>
    %dma_start3A_212 = tpu.memref_slice %arg4[%mul3A_210] : memref<52428800xf32, #tpu.memory_space<hbm>> -> memref<51200xf32, #tpu.memory_space<hbm>>
    tpu.enqueue_dma source(%arg5 : memref<51200xf32, #tpu.memory_space<vmem>>) target(%dma_start3A_212 : memref<51200xf32, #tpu.memory_space<hbm>>) target_semaphore(%arg7 : memref<!tpu.dma_semaphore, #tpu.memory_space<semaphore_mem>>)
    %mul3A_213 = arith.constant 32 : i32
    %mul3A_214 = arith.muli %add3A, %mul3A_213 : i32
    %add3A_215 = arith.constant 26 : i32
    %add3A_216 = arith.addi %mul3A_214, %add3A_215 : i32
    %mul3A_217 = arith.constant 51200 : i32
    %mul3A_218 = arith.muli %add3A_216, %mul3A_217 : i32
    %dma_start3A_219 = tpu.memref_slice %arg4[%mul3A_218] : memref<52428800xf32, #tpu.memory_space<hbm>> -> memref<51200xf32, #tpu.memory_space<hbm>>
    %dma_start3A_220 = tpu.memref_slice %arg4[%mul3A_218] : memref<52428800xf32, #tpu.memory_space<hbm>> -> memref<51200xf32, #tpu.memory_space<hbm>>
    tpu.enqueue_dma source(%arg5 : memref<51200xf32, #tpu.memory_space<vmem>>) target(%dma_start3A_220 : memref<51200xf32, #tpu.memory_space<hbm>>) target_semaphore(%arg7 : memref<!tpu.dma_semaphore, #tpu.memory_space<semaphore_mem>>)
    %mul3A_221 = arith.constant 32 : i32
    %mul3A_222 = arith.muli %add3A, %mul3A_221 : i32
    %add3A_223 = arith.constant 27 : i32
    %add3A_224 = arith.addi %mul3A_222, %add3A_223 : i32
    %mul3A_225 = arith.constant 51200 : i32
    %mul3A_226 = arith.muli %add3A_224, %mul3A_225 : i32
    %dma_start3A_227 = tpu.memref_slice %arg4[%mul3A_226] : memref<52428800xf32, #tpu.memory_space<hbm>> -> memref<51200xf32, #tpu.memory_space<hbm>>
    %dma_start3A_228 = tpu.memref_slice %arg4[%mul3A_226] : memref<52428800xf32, #tpu.memory_space<hbm>> -> memref<51200xf32, #tpu.memory_space<hbm>>
    tpu.enqueue_dma source(%arg5 : memref<51200xf32, #tpu.memory_space<vmem>>) target(%dma_start3A_228 : memref<51200xf32, #tpu.memory_space<hbm>>) target_semaphore(%arg7 : memref<!tpu.dma_semaphore, #tpu.memory_space<semaphore_mem>>)
    %mul3A_229 = arith.constant 32 : i32
    %mul3A_230 = arith.muli %add3A, %mul3A_229 : i32
    %add3A_231 = arith.constant 28 : i32
    %add3A_232 = arith.addi %mul3A_230, %add3A_231 : i32
    %mul3A_233 = arith.constant 51200 : i32
    %mul3A_234 = arith.muli %add3A_232, %mul3A_233 : i32
    %dma_start3A_235 = tpu.memref_slice %arg4[%mul3A_234] : memref<52428800xf32, #tpu.memory_space<hbm>> -> memref<51200xf32, #tpu.memory_space<hbm>>
    %dma_start3A_236 = tpu.memref_slice %arg4[%mul3A_234] : memref<52428800xf32, #tpu.memory_space<hbm>> -> memref<51200xf32, #tpu.memory_space<hbm>>
    tpu.enqueue_dma source(%arg5 : memref<51200xf32, #tpu.memory_space<vmem>>) target(%dma_start3A_236 : memref<51200xf32, #tpu.memory_space<hbm>>) target_semaphore(%arg7 : memref<!tpu.dma_semaphore, #tpu.memory_space<semaphore_mem>>)
    %mul3A_237 = arith.constant 32 : i32
    %mul3A_238 = arith.muli %add3A, %mul3A_237 : i32
    %add3A_239 = arith.constant 29 : i32
    %add3A_240 = arith.addi %mul3A_238, %add3A_239 : i32
    %mul3A_241 = arith.constant 51200 : i32
    %mul3A_242 = arith.muli %add3A_240, %mul3A_241 : i32
    %dma_start3A_243 = tpu.memref_slice %arg4[%mul3A_242] : memref<52428800xf32, #tpu.memory_space<hbm>> -> memref<51200xf32, #tpu.memory_space<hbm>>
    %dma_start3A_244 = tpu.memref_slice %arg4[%mul3A_242] : memref<52428800xf32, #tpu.memory_space<hbm>> -> memref<51200xf32, #tpu.memory_space<hbm>>
    tpu.enqueue_dma source(%arg5 : memref<51200xf32, #tpu.memory_space<vmem>>) target(%dma_start3A_244 : memref<51200xf32, #tpu.memory_space<hbm>>) target_semaphore(%arg7 : memref<!tpu.dma_semaphore, #tpu.memory_space<semaphore_mem>>)
    %mul3A_245 = arith.constant 32 : i32
    %mul3A_246 = arith.muli %add3A, %mul3A_245 : i32
    %add3A_247 = arith.constant 30 : i32
    %add3A_248 = arith.addi %mul3A_246, %add3A_247 : i32
    %mul3A_249 = arith.constant 51200 : i32
    %mul3A_250 = arith.muli %add3A_248, %mul3A_249 : i32
    %dma_start3A_251 = tpu.memref_slice %arg4[%mul3A_250] : memref<52428800xf32, #tpu.memory_space<hbm>> -> memref<51200xf32, #tpu.memory_space<hbm>>
    %dma_start3A_252 = tpu.memref_slice %arg4[%mul3A_250] : memref<52428800xf32, #tpu.memory_space<hbm>> -> memref<51200xf32, #tpu.memory_space<hbm>>
    tpu.enqueue_dma source(%arg5 : memref<51200xf32, #tpu.memory_space<vmem>>) target(%dma_start3A_252 : memref<51200xf32, #tpu.memory_space<hbm>>) target_semaphore(%arg7 : memref<!tpu.dma_semaphore, #tpu.memory_space<semaphore_mem>>)
    %mul3A_253 = arith.constant 32 : i32
    %mul3A_254 = arith.muli %add3A, %mul3A_253 : i32
    %add3A_255 = arith.constant 31 : i32
    %add3A_256 = arith.addi %mul3A_254, %add3A_255 : i32
    %mul3A_257 = arith.constant 51200 : i32
    %mul3A_258 = arith.muli %add3A_256, %mul3A_257 : i32
    %dma_start3A_259 = tpu.memref_slice %arg4[%mul3A_258] : memref<52428800xf32, #tpu.memory_space<hbm>> -> memref<51200xf32, #tpu.memory_space<hbm>>
    %dma_start3A_260 = tpu.memref_slice %arg4[%mul3A_258] : memref<52428800xf32, #tpu.memory_space<hbm>> -> memref<51200xf32, #tpu.memory_space<hbm>>
    tpu.enqueue_dma source(%arg5 : memref<51200xf32, #tpu.memory_space<vmem>>) target(%dma_start3A_260 : memref<51200xf32, #tpu.memory_space<hbm>>) target_semaphore(%arg7 : memref<!tpu.dma_semaphore, #tpu.memory_space<semaphore_mem>>)
    %dma_wait3A = tpu.memref_slice %arg4[%mul3A_11] : memref<52428800xf32, #tpu.memory_space<hbm>> -> memref<51200xf32, #tpu.memory_space<hbm>>
    %dma_wait3A_261 = tpu.memref_slice %arg4[%mul3A_11] : memref<52428800xf32, #tpu.memory_space<hbm>> -> memref<51200xf32, #tpu.memory_space<hbm>>
    tpu.wait_dma2 semaphore(%arg7 : memref<!tpu.dma_semaphore, #tpu.memory_space<semaphore_mem>>) src(%arg5 : memref<51200xf32, #tpu.memory_space<vmem>>) dst(%dma_wait3A_261 : memref<51200xf32, #tpu.memory_space<hbm>>)
    %dma_wait3A_262 = tpu.memref_slice %arg4[%mul3A_18] : memref<52428800xf32, #tpu.memory_space<hbm>> -> memref<51200xf32, #tpu.memory_space<hbm>>
    %dma_wait3A_263 = tpu.memref_slice %arg4[%mul3A_18] : memref<52428800xf32, #tpu.memory_space<hbm>> -> memref<51200xf32, #tpu.memory_space<hbm>>
    tpu.wait_dma2 semaphore(%arg7 : memref<!tpu.dma_semaphore, #tpu.memory_space<semaphore_mem>>) src(%arg5 : memref<51200xf32, #tpu.memory_space<vmem>>) dst(%dma_wait3A_263 : memref<51200xf32, #tpu.memory_space<hbm>>)
    %dma_wait3A_264 = tpu.memref_slice %arg4[%mul3A_26] : memref<52428800xf32, #tpu.memory_space<hbm>> -> memref<51200xf32, #tpu.memory_space<hbm>>
    %dma_wait3A_265 = tpu.memref_slice %arg4[%mul3A_26] : memref<52428800xf32, #tpu.memory_space<hbm>> -> memref<51200xf32, #tpu.memory_space<hbm>>
    tpu.wait_dma2 semaphore(%arg7 : memref<!tpu.dma_semaphore, #tpu.memory_space<semaphore_mem>>) src(%arg5 : memref<51200xf32, #tpu.memory_space<vmem>>) dst(%dma_wait3A_265 : memref<51200xf32, #tpu.memory_space<hbm>>)
    %dma_wait3A_266 = tpu.memref_slice %arg4[%mul3A_34] : memref<52428800xf32, #tpu.memory_space<hbm>> -> memref<51200xf32, #tpu.memory_space<hbm>>
    %dma_wait3A_267 = tpu.memref_slice %arg4[%mul3A_34] : memref<52428800xf32, #tpu.memory_space<hbm>> -> memref<51200xf32, #tpu.memory_space<hbm>>
    tpu.wait_dma2 semaphore(%arg7 : memref<!tpu.dma_semaphore, #tpu.memory_space<semaphore_mem>>) src(%arg5 : memref<51200xf32, #tpu.memory_space<vmem>>) dst(%dma_wait3A_267 : memref<51200xf32, #tpu.memory_space<hbm>>)
    %dma_wait3A_268 = tpu.memref_slice %arg4[%mul3A_42] : memref<52428800xf32, #tpu.memory_space<hbm>> -> memref<51200xf32, #tpu.memory_space<hbm>>
    %dma_wait3A_269 = tpu.memref_slice %arg4[%mul3A_42] : memref<52428800xf32, #tpu.memory_space<hbm>> -> memref<51200xf32, #tpu.memory_space<hbm>>
    tpu.wait_dma2 semaphore(%arg7 : memref<!tpu.dma_semaphore, #tpu.memory_space<semaphore_mem>>) src(%arg5 : memref<51200xf32, #tpu.memory_space<vmem>>) dst(%dma_wait3A_269 : memref<51200xf32, #tpu.memory_space<hbm>>)
    %dma_wait3A_270 = tpu.memref_slice %arg4[%mul3A_50] : memref<52428800xf32, #tpu.memory_space<hbm>> -> memref<51200xf32, #tpu.memory_space<hbm>>
    %dma_wait3A_271 = tpu.memref_slice %arg4[%mul3A_50] : memref<52428800xf32, #tpu.memory_space<hbm>> -> memref<51200xf32, #tpu.memory_space<hbm>>
    tpu.wait_dma2 semaphore(%arg7 : memref<!tpu.dma_semaphore, #tpu.memory_space<semaphore_mem>>) src(%arg5 : memref<51200xf32, #tpu.memory_space<vmem>>) dst(%dma_wait3A_271 : memref<51200xf32, #tpu.memory_space<hbm>>)
    %dma_wait3A_272 = tpu.memref_slice %arg4[%mul3A_58] : memref<52428800xf32, #tpu.memory_space<hbm>> -> memref<51200xf32, #tpu.memory_space<hbm>>
    %dma_wait3A_273 = tpu.memref_slice %arg4[%mul3A_58] : memref<52428800xf32, #tpu.memory_space<hbm>> -> memref<51200xf32, #tpu.memory_space<hbm>>
    tpu.wait_dma2 semaphore(%arg7 : memref<!tpu.dma_semaphore, #tpu.memory_space<semaphore_mem>>) src(%arg5 : memref<51200xf32, #tpu.memory_space<vmem>>) dst(%dma_wait3A_273 : memref<51200xf32, #tpu.memory_space<hbm>>)
    %dma_wait3A_274 = tpu.memref_slice %arg4[%mul3A_66] : memref<52428800xf32, #tpu.memory_space<hbm>> -> memref<51200xf32, #tpu.memory_space<hbm>>
    %dma_wait3A_275 = tpu.memref_slice %arg4[%mul3A_66] : memref<52428800xf32, #tpu.memory_space<hbm>> -> memref<51200xf32, #tpu.memory_space<hbm>>
    tpu.wait_dma2 semaphore(%arg7 : memref<!tpu.dma_semaphore, #tpu.memory_space<semaphore_mem>>) src(%arg5 : memref<51200xf32, #tpu.memory_space<vmem>>) dst(%dma_wait3A_275 : memref<51200xf32, #tpu.memory_space<hbm>>)
    %dma_wait3A_276 = tpu.memref_slice %arg4[%mul3A_74] : memref<52428800xf32, #tpu.memory_space<hbm>> -> memref<51200xf32, #tpu.memory_space<hbm>>
    %dma_wait3A_277 = tpu.memref_slice %arg4[%mul3A_74] : memref<52428800xf32, #tpu.memory_space<hbm>> -> memref<51200xf32, #tpu.memory_space<hbm>>
    tpu.wait_dma2 semaphore(%arg7 : memref<!tpu.dma_semaphore, #tpu.memory_space<semaphore_mem>>) src(%arg5 : memref<51200xf32, #tpu.memory_space<vmem>>) dst(%dma_wait3A_277 : memref<51200xf32, #tpu.memory_space<hbm>>)
    %dma_wait3A_278 = tpu.memref_slice %arg4[%mul3A_82] : memref<52428800xf32, #tpu.memory_space<hbm>> -> memref<51200xf32, #tpu.memory_space<hbm>>
    %dma_wait3A_279 = tpu.memref_slice %arg4[%mul3A_82] : memref<52428800xf32, #tpu.memory_space<hbm>> -> memref<51200xf32, #tpu.memory_space<hbm>>
    tpu.wait_dma2 semaphore(%arg7 : memref<!tpu.dma_semaphore, #tpu.memory_space<semaphore_mem>>) src(%arg5 : memref<51200xf32, #tpu.memory_space<vmem>>) dst(%dma_wait3A_279 : memref<51200xf32, #tpu.memory_space<hbm>>)
    %dma_wait3A_280 = tpu.memref_slice %arg4[%mul3A_90] : memref<52428800xf32, #tpu.memory_space<hbm>> -> memref<51200xf32, #tpu.memory_space<hbm>>
    %dma_wait3A_281 = tpu.memref_slice %arg4[%mul3A_90] : memref<52428800xf32, #tpu.memory_space<hbm>> -> memref<51200xf32, #tpu.memory_space<hbm>>
    tpu.wait_dma2 semaphore(%arg7 : memref<!tpu.dma_semaphore, #tpu.memory_space<semaphore_mem>>) src(%arg5 : memref<51200xf32, #tpu.memory_space<vmem>>) dst(%dma_wait3A_281 : memref<51200xf32, #tpu.memory_space<hbm>>)
    %dma_wait3A_282 = tpu.memref_slice %arg4[%mul3A_98] : memref<52428800xf32, #tpu.memory_space<hbm>> -> memref<51200xf32, #tpu.memory_space<hbm>>
    %dma_wait3A_283 = tpu.memref_slice %arg4[%mul3A_98] : memref<52428800xf32, #tpu.memory_space<hbm>> -> memref<51200xf32, #tpu.memory_space<hbm>>
    tpu.wait_dma2 semaphore(%arg7 : memref<!tpu.dma_semaphore, #tpu.memory_space<semaphore_mem>>) src(%arg5 : memref<51200xf32, #tpu.memory_space<vmem>>) dst(%dma_wait3A_283 : memref<51200xf32, #tpu.memory_space<hbm>>)
    %dma_wait3A_284 = tpu.memref_slice %arg4[%mul3A_106] : memref<52428800xf32, #tpu.memory_space<hbm>> -> memref<51200xf32, #tpu.memory_space<hbm>>
    %dma_wait3A_285 = tpu.memref_slice %arg4[%mul3A_106] : memref<52428800xf32, #tpu.memory_space<hbm>> -> memref<51200xf32, #tpu.memory_space<hbm>>
    tpu.wait_dma2 semaphore(%arg7 : memref<!tpu.dma_semaphore, #tpu.memory_space<semaphore_mem>>) src(%arg5 : memref<51200xf32, #tpu.memory_space<vmem>>) dst(%dma_wait3A_285 : memref<51200xf32, #tpu.memory_space<hbm>>)
    %dma_wait3A_286 = tpu.memref_slice %arg4[%mul3A_114] : memref<52428800xf32, #tpu.memory_space<hbm>> -> memref<51200xf32, #tpu.memory_space<hbm>>
    %dma_wait3A_287 = tpu.memref_slice %arg4[%mul3A_114] : memref<52428800xf32, #tpu.memory_space<hbm>> -> memref<51200xf32, #tpu.memory_space<hbm>>
    tpu.wait_dma2 semaphore(%arg7 : memref<!tpu.dma_semaphore, #tpu.memory_space<semaphore_mem>>) src(%arg5 : memref<51200xf32, #tpu.memory_space<vmem>>) dst(%dma_wait3A_287 : memref<51200xf32, #tpu.memory_space<hbm>>)
    %dma_wait3A_288 = tpu.memref_slice %arg4[%mul3A_122] : memref<52428800xf32, #tpu.memory_space<hbm>> -> memref<51200xf32, #tpu.memory_space<hbm>>
    %dma_wait3A_289 = tpu.memref_slice %arg4[%mul3A_122] : memref<52428800xf32, #tpu.memory_space<hbm>> -> memref<51200xf32, #tpu.memory_space<hbm>>
    tpu.wait_dma2 semaphore(%arg7 : memref<!tpu.dma_semaphore, #tpu.memory_space<semaphore_mem>>) src(%arg5 : memref<51200xf32, #tpu.memory_space<vmem>>) dst(%dma_wait3A_289 : memref<51200xf32, #tpu.memory_space<hbm>>)
    %dma_wait3A_290 = tpu.memref_slice %arg4[%mul3A_130] : memref<52428800xf32, #tpu.memory_space<hbm>> -> memref<51200xf32, #tpu.memory_space<hbm>>
    %dma_wait3A_291 = tpu.memref_slice %arg4[%mul3A_130] : memref<52428800xf32, #tpu.memory_space<hbm>> -> memref<51200xf32, #tpu.memory_space<hbm>>
    tpu.wait_dma2 semaphore(%arg7 : memref<!tpu.dma_semaphore, #tpu.memory_space<semaphore_mem>>) src(%arg5 : memref<51200xf32, #tpu.memory_space<vmem>>) dst(%dma_wait3A_291 : memref<51200xf32, #tpu.memory_space<hbm>>)
    %dma_wait3A_292 = tpu.memref_slice %arg4[%mul3A_138] : memref<52428800xf32, #tpu.memory_space<hbm>> -> memref<51200xf32, #tpu.memory_space<hbm>>
    %dma_wait3A_293 = tpu.memref_slice %arg4[%mul3A_138] : memref<52428800xf32, #tpu.memory_space<hbm>> -> memref<51200xf32, #tpu.memory_space<hbm>>
    tpu.wait_dma2 semaphore(%arg7 : memref<!tpu.dma_semaphore, #tpu.memory_space<semaphore_mem>>) src(%arg5 : memref<51200xf32, #tpu.memory_space<vmem>>) dst(%dma_wait3A_293 : memref<51200xf32, #tpu.memory_space<hbm>>)
    %dma_wait3A_294 = tpu.memref_slice %arg4[%mul3A_146] : memref<52428800xf32, #tpu.memory_space<hbm>> -> memref<51200xf32, #tpu.memory_space<hbm>>
    %dma_wait3A_295 = tpu.memref_slice %arg4[%mul3A_146] : memref<52428800xf32, #tpu.memory_space<hbm>> -> memref<51200xf32, #tpu.memory_space<hbm>>
    tpu.wait_dma2 semaphore(%arg7 : memref<!tpu.dma_semaphore, #tpu.memory_space<semaphore_mem>>) src(%arg5 : memref<51200xf32, #tpu.memory_space<vmem>>) dst(%dma_wait3A_295 : memref<51200xf32, #tpu.memory_space<hbm>>)
    %dma_wait3A_296 = tpu.memref_slice %arg4[%mul3A_154] : memref<52428800xf32, #tpu.memory_space<hbm>> -> memref<51200xf32, #tpu.memory_space<hbm>>
    %dma_wait3A_297 = tpu.memref_slice %arg4[%mul3A_154] : memref<52428800xf32, #tpu.memory_space<hbm>> -> memref<51200xf32, #tpu.memory_space<hbm>>
    tpu.wait_dma2 semaphore(%arg7 : memref<!tpu.dma_semaphore, #tpu.memory_space<semaphore_mem>>) src(%arg5 : memref<51200xf32, #tpu.memory_space<vmem>>) dst(%dma_wait3A_297 : memref<51200xf32, #tpu.memory_space<hbm>>)
    %dma_wait3A_298 = tpu.memref_slice %arg4[%mul3A_162] : memref<52428800xf32, #tpu.memory_space<hbm>> -> memref<51200xf32, #tpu.memory_space<hbm>>
    %dma_wait3A_299 = tpu.memref_slice %arg4[%mul3A_162] : memref<52428800xf32, #tpu.memory_space<hbm>> -> memref<51200xf32, #tpu.memory_space<hbm>>
    tpu.wait_dma2 semaphore(%arg7 : memref<!tpu.dma_semaphore, #tpu.memory_space<semaphore_mem>>) src(%arg5 : memref<51200xf32, #tpu.memory_space<vmem>>) dst(%dma_wait3A_299 : memref<51200xf32, #tpu.memory_space<hbm>>)
    %dma_wait3A_300 = tpu.memref_slice %arg4[%mul3A_170] : memref<52428800xf32, #tpu.memory_space<hbm>> -> memref<51200xf32, #tpu.memory_space<hbm>>
    %dma_wait3A_301 = tpu.memref_slice %arg4[%mul3A_170] : memref<52428800xf32, #tpu.memory_space<hbm>> -> memref<51200xf32, #tpu.memory_space<hbm>>
    tpu.wait_dma2 semaphore(%arg7 : memref<!tpu.dma_semaphore, #tpu.memory_space<semaphore_mem>>) src(%arg5 : memref<51200xf32, #tpu.memory_space<vmem>>) dst(%dma_wait3A_301 : memref<51200xf32, #tpu.memory_space<hbm>>)
    %dma_wait3A_302 = tpu.memref_slice %arg4[%mul3A_178] : memref<52428800xf32, #tpu.memory_space<hbm>> -> memref<51200xf32, #tpu.memory_space<hbm>>
    %dma_wait3A_303 = tpu.memref_slice %arg4[%mul3A_178] : memref<52428800xf32, #tpu.memory_space<hbm>> -> memref<51200xf32, #tpu.memory_space<hbm>>
    tpu.wait_dma2 semaphore(%arg7 : memref<!tpu.dma_semaphore, #tpu.memory_space<semaphore_mem>>) src(%arg5 : memref<51200xf32, #tpu.memory_space<vmem>>) dst(%dma_wait3A_303 : memref<51200xf32, #tpu.memory_space<hbm>>)
    %dma_wait3A_304 = tpu.memref_slice %arg4[%mul3A_186] : memref<52428800xf32, #tpu.memory_space<hbm>> -> memref<51200xf32, #tpu.memory_space<hbm>>
    %dma_wait3A_305 = tpu.memref_slice %arg4[%mul3A_186] : memref<52428800xf32, #tpu.memory_space<hbm>> -> memref<51200xf32, #tpu.memory_space<hbm>>
    tpu.wait_dma2 semaphore(%arg7 : memref<!tpu.dma_semaphore, #tpu.memory_space<semaphore_mem>>) src(%arg5 : memref<51200xf32, #tpu.memory_space<vmem>>) dst(%dma_wait3A_305 : memref<51200xf32, #tpu.memory_space<hbm>>)
    %dma_wait3A_306 = tpu.memref_slice %arg4[%mul3A_194] : memref<52428800xf32, #tpu.memory_space<hbm>> -> memref<51200xf32, #tpu.memory_space<hbm>>
    %dma_wait3A_307 = tpu.memref_slice %arg4[%mul3A_194] : memref<52428800xf32, #tpu.memory_space<hbm>> -> memref<51200xf32, #tpu.memory_space<hbm>>
    tpu.wait_dma2 semaphore(%arg7 : memref<!tpu.dma_semaphore, #tpu.memory_space<semaphore_mem>>) src(%arg5 : memref<51200xf32, #tpu.memory_space<vmem>>) dst(%dma_wait3A_307 : memref<51200xf32, #tpu.memory_space<hbm>>)
    %dma_wait3A_308 = tpu.memref_slice %arg4[%mul3A_202] : memref<52428800xf32, #tpu.memory_space<hbm>> -> memref<51200xf32, #tpu.memory_space<hbm>>
    %dma_wait3A_309 = tpu.memref_slice %arg4[%mul3A_202] : memref<52428800xf32, #tpu.memory_space<hbm>> -> memref<51200xf32, #tpu.memory_space<hbm>>
    tpu.wait_dma2 semaphore(%arg7 : memref<!tpu.dma_semaphore, #tpu.memory_space<semaphore_mem>>) src(%arg5 : memref<51200xf32, #tpu.memory_space<vmem>>) dst(%dma_wait3A_309 : memref<51200xf32, #tpu.memory_space<hbm>>)
    %dma_wait3A_310 = tpu.memref_slice %arg4[%mul3A_210] : memref<52428800xf32, #tpu.memory_space<hbm>> -> memref<51200xf32, #tpu.memory_space<hbm>>
    %dma_wait3A_311 = tpu.memref_slice %arg4[%mul3A_210] : memref<52428800xf32, #tpu.memory_space<hbm>> -> memref<51200xf32, #tpu.memory_space<hbm>>
    tpu.wait_dma2 semaphore(%arg7 : memref<!tpu.dma_semaphore, #tpu.memory_space<semaphore_mem>>) src(%arg5 : memref<51200xf32, #tpu.memory_space<vmem>>) dst(%dma_wait3A_311 : memref<51200xf32, #tpu.memory_space<hbm>>)
    %dma_wait3A_312 = tpu.memref_slice %arg4[%mul3A_218] : memref<52428800xf32, #tpu.memory_space<hbm>> -> memref<51200xf32, #tpu.memory_space<hbm>>
    %dma_wait3A_313 = tpu.memref_slice %arg4[%mul3A_218] : memref<52428800xf32, #tpu.memory_space<hbm>> -> memref<51200xf32, #tpu.memory_space<hbm>>
    tpu.wait_dma2 semaphore(%arg7 : memref<!tpu.dma_semaphore, #tpu.memory_space<semaphore_mem>>) src(%arg5 : memref<51200xf32, #tpu.memory_space<vmem>>) dst(%dma_wait3A_313 : memref<51200xf32, #tpu.memory_space<hbm>>)
    %dma_wait3A_314 = tpu.memref_slice %arg4[%mul3A_226] : memref<52428800xf32, #tpu.memory_space<hbm>> -> memref<51200xf32, #tpu.memory_space<hbm>>
    %dma_wait3A_315 = tpu.memref_slice %arg4[%mul3A_226] : memref<52428800xf32, #tpu.memory_space<hbm>> -> memref<51200xf32, #tpu.memory_space<hbm>>
    tpu.wait_dma2 semaphore(%arg7 : memref<!tpu.dma_semaphore, #tpu.memory_space<semaphore_mem>>) src(%arg5 : memref<51200xf32, #tpu.memory_space<vmem>>) dst(%dma_wait3A_315 : memref<51200xf32, #tpu.memory_space<hbm>>)
    %dma_wait3A_316 = tpu.memref_slice %arg4[%mul3A_234] : memref<52428800xf32, #tpu.memory_space<hbm>> -> memref<51200xf32, #tpu.memory_space<hbm>>
    %dma_wait3A_317 = tpu.memref_slice %arg4[%mul3A_234] : memref<52428800xf32, #tpu.memory_space<hbm>> -> memref<51200xf32, #tpu.memory_space<hbm>>
    tpu.wait_dma2 semaphore(%arg7 : memref<!tpu.dma_semaphore, #tpu.memory_space<semaphore_mem>>) src(%arg5 : memref<51200xf32, #tpu.memory_space<vmem>>) dst(%dma_wait3A_317 : memref<51200xf32, #tpu.memory_space<hbm>>)
    %dma_wait3A_318 = tpu.memref_slice %arg4[%mul3A_242] : memref<52428800xf32, #tpu.memory_space<hbm>> -> memref<51200xf32, #tpu.memory_space<hbm>>
    %dma_wait3A_319 = tpu.memref_slice %arg4[%mul3A_242] : memref<52428800xf32, #tpu.memory_space<hbm>> -> memref<51200xf32, #tpu.memory_space<hbm>>
    tpu.wait_dma2 semaphore(%arg7 : memref<!tpu.dma_semaphore, #tpu.memory_space<semaphore_mem>>) src(%arg5 : memref<51200xf32, #tpu.memory_space<vmem>>) dst(%dma_wait3A_319 : memref<51200xf32, #tpu.memory_space<hbm>>)
    %dma_wait3A_320 = tpu.memref_slice %arg4[%mul3A_250] : memref<52428800xf32, #tpu.memory_space<hbm>> -> memref<51200xf32, #tpu.memory_space<hbm>>
    %dma_wait3A_321 = tpu.memref_slice %arg4[%mul3A_250] : memref<52428800xf32, #tpu.memory_space<hbm>> -> memref<51200xf32, #tpu.memory_space<hbm>>
    tpu.wait_dma2 semaphore(%arg7 : memref<!tpu.dma_semaphore, #tpu.memory_space<semaphore_mem>>) src(%arg5 : memref<51200xf32, #tpu.memory_space<vmem>>) dst(%dma_wait3A_321 : memref<51200xf32, #tpu.memory_space<hbm>>)
    %dma_wait3A_322 = tpu.memref_slice %arg4[%mul3A_258] : memref<52428800xf32, #tpu.memory_space<hbm>> -> memref<51200xf32, #tpu.memory_space<hbm>>
    %dma_wait3A_323 = tpu.memref_slice %arg4[%mul3A_258] : memref<52428800xf32, #tpu.memory_space<hbm>> -> memref<51200xf32, #tpu.memory_space<hbm>>
    tpu.wait_dma2 semaphore(%arg7 : memref<!tpu.dma_semaphore, #tpu.memory_space<semaphore_mem>>) src(%arg5 : memref<51200xf32, #tpu.memory_space<vmem>>) dst(%dma_wait3A_323 : memref<51200xf32, #tpu.memory_space<hbm>>)
    return
  }
}

</mosaic_0001>

<sc_bundles>
// kernel: kernel.3.cloned.1.call-start
scs
__scs_entry_jumppad:
0x0: {  	(pc) =	sbr.rel $0x88, $3  }
0x1: {  	(tag) =	ssettag $0x0;
	lr =	simm.s32 $0x1  }
0x2: {  	[smem:$0x3F9F] =	sst lr;
	_ =	strace $0xD0000000  }
0x3: {  	_ = 	snop  }
0x4: {  	_ = 	snop  }
0x5: {  	_ = 	snop  }
0x6: {  	_ = 	snop  }
0x7: {  	_ = 	snop  }
__scs_overlays_trampoline_lowered:
0x8: {  	[smem:$0x3FAE] =	sst s0  }
0x9: {  	[smem:$0x3FAF] =	sst s1  }
0xa: {  	[smem:$0x3FB0] =	sst s2  }
0xb: {  	[smem:$0x3FB1] =	sst s3  }
0xc: {  	[smem:$0x3FB2] =	sst s4  }
0xd: {  	[smem:$0x3FB3] =	sst s5  }
0xe: {  	[smem:$0x3FB4] =	sst s6  }
0xf: {  	[smem:$0x3FB5] =	sst s7  }
0x10: {  	[smem:$0x3FB6] =	sst s8  }
0x11: {  	[smem:$0x3FB7] =	sst s9;
	s0 =	simm.s32 @!p0 $0x0  }
0x12: {  	s1 =	sld [smem:$0x3F9D];
	s0 =	simm.s32 @p0 $0x1  }
0x13: {  	[smem:$0x3FB8] =	sst s0;
	s0 =	simm.s32 @!p1 $0x0  }
0x14: {  	s2 =	sld [smem:$0x3F9C];
	s0 =	simm.s32 @p1 $0x1  }
0x15: {  	[smem:$0x3FB9] =	sst s0;
	s0 =	simm.s32 @!p2 $0x0  }
0x16: {  	s3 =	sld [smem:$0x3FDB];
	s0 =	simm.s32 @p2 $0x1  }
0x17: {  	s4 =	simm.s32 $0x1BF5;
	[smem:$0x3FBB] =	sst s0  }
0x18: {  	s0 =	sld [smem:$0x3F9E];
	_ =	swait.ge [sflag:s4], $0x0  }
0x19: {  	s7 =	sld [smem:$0x3F9F]  }
0x1a: {  	s8 =	sadd.s32 $0xFFFFE003, lr  }
0x1b: {  	s9 =	sadd.s32 $0xFFFFFEF7, lr;
	s5 =	simm.s32 $0xFFFFFFFF;
	p2 =	slt.u32 s8, $0xFFFFF086  }
0x1c: {  	p1 =	slt.u32 s9, $0xF7A;
	s5 =	simm.s32 @!p2 $0x0  }
0x1d: {  	s5 =	simm.s32 @p1 $0x1;
	p0 =	seq.s32 s7, s2  }
0x1e: {  	s7 =	smul.u32 @!p0 $0xF7A, s2;
	p2 =	seq.s32 @!p0 s5, $0x0  }
0x1f: {  	s9 =	smul.u32 $0xF7A, s1;
	s8 =	simm.s32 @!p0 $0x1BF5;
	p2 =	por !p2, p0  }
0x20: {  	[sflag:s8] =	ssyncset.s32 @!p0 $0xFFFFF086;
	s6 =	sadd.s32 @!p0 s3, s7;
	s7 =	simm.s32 @!p0 $0x108  }
0x21: {  	s3 =	sadd.s32 s3, s9;
	s6 =	sadd.s32 @!p0 $0x88, s6;
	s7 =	simm.s32 @p2 $0x1082  }
0x22: {  	[simem:s7], [sflag:s8] =	dma.local @!p0 [hbm:s6], $0xF7A  }
0x23: {  	s9 =	sor.u32 $0xD0000000, s2;
	s6 =	simm.s32 $0x108;
	_ =	swait.ge @!p0 [sflag:s8], $0x0  }
0x24: {  	s3 =	sadd.s32 $0x88, s3;
	s6 =	simm.s32 @!p1 $0x1082;
	[sflag:s4] =	ssyncset.s32 $0xFFFFF086  }
0x25: {  	[simem:s6], [sflag:s4] =	dma.local [hbm:s3], $0xF7A  }
0x26: {  	[smem:$0x3F9F] =	sst s1;
	(tag) =	ssettag s2;
	_ =	strace s9  }
0x27: {  	s1 =	sld [smem:$0x3FAF]  }
0x28: {  	s2 =	sld [smem:$0x3FB0]  }
0x29: {  	s4 =	sld [smem:$0x3FB2]  }
0x2a: {  	p0 =	seq.s32 s5, $0x0;
	s5 =	sld [smem:$0x3FB3]  }
0x2b: {  	s6 =	sld [smem:$0x3FB4]  }
0x2c: {  	s7 =	sld [smem:$0x3FB5]  }
0x2d: {  	s3 =	simm.s32 $0x108;
	s8 =	sld [smem:$0x3FB6]  }
0x2e: {  	s3 =	simm.s32 @!p0 $0x1082;
	s9 =	sld [smem:$0x3FB7]  }
0x2f: {  	lr =	sadd.s32 s0, s3;
	s0 =	sld [smem:$0x3FAE]  }
0x30: {  	s3 =	sld [smem:$0x3FB1]  }
0x31: {  	[smem:$0x3FBA] =	sst s10  }
0x32: {  	s10 =	sld [smem:$0x3FB8];
	_ =	sdelay $0x3  }
0x33: {  	p0 =	seq.s32 s10, $0x1;
	s10 =	sld [smem:$0x3FBA];
	_ =	sdelay $0x3  }
0x34: {  	[smem:$0x3FBA] =	sst s10  }
0x35: {  	s10 =	sld [smem:$0x3FB9];
	_ =	sdelay $0x3  }
0x36: {  	p1 =	seq.s32 s10, $0x1;
	s10 =	sld [smem:$0x3FBA];
	_ =	sdelay $0x3  }
0x37: {  	[smem:$0x3FBA] =	sst s10  }
0x38: {  	s10 =	sld [smem:$0x3FBB]  }
0x39: {  	_ = 	snop;
	(pc) =	sbr.ind lr, $3  }
0x3a: {  	_ = 	snop  }
0x3b: {  	_ = 	snop  }
0x3c: {  	p2 =	seq.s32 s10, $0x1;
	s10 =	sld [smem:$0x3FBA]  }
0x3d: {  	_ =	shalt  }
0x3e: {  	_ =	shalt  }
0x3f: {  	_ =	shalt  }
0x40: {  	_ =	shalt  }
0x41: {  	_ =	shalt  }
0x42: {  	_ =	shalt  }
0x43: {  	_ =	shalt  }
0x44: {  	_ =	shalt  }
0x45: {  	_ =	shalt  }
0x46: {  	_ =	shalt  }
0x47: {  	_ =	shalt  }
0x48: {  	_ =	shalt  }
0x49: {  	_ =	shalt  }
0x4a: {  	_ =	shalt  }
0x4b: {  	_ =	shalt  }
0x4c: {  	_ =	shalt  }
0x4d: {  	_ =	shalt  }
0x4e: {  	_ =	shalt  }
0x4f: {  	_ =	shalt  }
0x50: {  	_ =	shalt  }
0x51: {  	_ =	shalt  }
0x52: {  	_ =	shalt  }
0x53: {  	_ =	shalt  }
0x54: {  	_ =	shalt  }
0x55: {  	_ =	shalt  }
0x56: {  	_ =	shalt  }
0x57: {  	_ =	shalt  }
0x58: {  	_ =	shalt  }
0x59: {  	_ =	shalt  }
0x5a: {  	_ =	shalt  }
0x5b: {  	_ =	shalt  }
0x5c: {  	_ =	shalt  }
0x5d: {  	_ =	shalt  }
0x5e: {  	_ =	shalt  }
0x5f: {  	_ =	shalt  }
0x60: {  	_ =	shalt  }
0x61: {  	_ =	shalt  }
0x62: {  	_ =	shalt  }
0x63: {  	_ =	shalt  }
0x64: {  	_ =	shalt  }
0x65: {  	_ =	shalt  }
0x66: {  	_ =	shalt  }
0x67: {  	_ =	shalt  }
0x68: {  	_ =	shalt  }
0x69: {  	_ =	shalt  }
0x6a: {  	_ =	shalt  }
0x6b: {  	_ =	shalt  }
0x6c: {  	_ =	shalt  }
0x6d: {  	_ =	shalt  }
0x6e: {  	_ =	shalt  }
0x6f: {  	_ =	shalt  }
0x70: {  	_ =	shalt  }
0x71: {  	_ =	shalt  }
0x72: {  	_ =	shalt  }
0x73: {  	_ =	shalt  }
0x74: {  	_ =	shalt  }
0x75: {  	_ =	shalt  }
0x76: {  	_ =	shalt  }
0x77: {  	_ =	shalt  }
0x78: {  	_ =	shalt  }
0x79: {  	_ =	shalt  }
0x7a: {  	_ =	shalt  }
0x7b: {  	_ =	shalt  }
0x7c: {  	_ =	shalt  }
0x7d: {  	_ =	shalt  }
0x7e: {  	_ =	shalt  }
0x7f: {  	_ =	shalt  }
0x80: {  	_ =	shalt  }
0x81: {  	_ =	shalt  }
0x82: {  	_ =	shalt  }
0x83: {  	_ =	shalt  }
0x84: {  	_ =	shalt  }
0x85: {  	_ =	shalt  }
0x86: {  	_ =	shalt  }
0x87: {  	_ =	shalt  }
.Lfunc_end0:
.L_simem_size_0:
called_computation_lowered:
.L_overlay_start_0:
0x88: {  	s2 =	sld [smem:$0x3FD9]  }
0x89: {  	s3 =	sld [smem:$0x3FFE];
	_ =	sdelay $0x1  }
0x8a: {  	s1 =	srdreg.scid  }
0x8b: {  	s0 =	sand.u32 $0x1, s1  }
0x8c: {  	s17 =	sshll.u32 s0, $0xA;
	s2 =	sadd.s32 s3, s2  }
0x8d: {  	s2 =	sadd.s32 s2, s17  }
0x8e: {  	[smem:$0x3FC6] =	sst s2  }
0x8f: {  	_ = 	snop  }
0x90: {  	s2 =	sld [smem:$0x3FD0];
	(tm) =	ssettm $0x1  }
0x91: {  	s18 =	sld [smem:$0x3FFB];
	_ =	sdelay $0x3  }
0x92: {  	_ =	strace s18  }
0x93: {  	s3 =	sld [smem:$0x3FFC];
	_ =	sdelay $0x3  }
0x94: {  	_ =	strace s3  }
0x95: {  	s3 =	sld [smem:$0x3FFD];
	_ =	sdelay $0x3  }
0x96: {  	_ =	strace s3  }
0x97: {  	_ =	strace $0x8FFFFFFF  }
0x98: {  	s19 =	sld [smem:$0x3FDB];
	_ =	sdelay $0x1  }
0x99: {  	s4 =	simm.s32 $_scs_section_size  }
0x9a: {  	s5 =	simm.s32 $_size__tile_overlayer_lowered;
	s6 =	simm.s32 $_tile_overlayer_lowered  }
0x9b: {  	s22 =	simm.s32 $0x1BFF;
	s21 =	sshll.u32 s6, $0x1;
	s3 =	sadd.s32 s4, s19  }
0x9c: {  	s7 =	simm.s32 $0x0;
	s20 =	sshll.u32 s5, $0x1;
	s5 =	sadd.s32 s21, s3  }
0x9d: {  	[timem:s7], [sflag:s22] =	dma.local [hbm:s5], s20  }
0x9e: {  	_ =	swait.ge [sflag:s22], s20  }
0x9f: {  	s4 =	ssub.s32 $0x0, s20;
	[sflag:s22] =	ssyncset.done $0x0  }
0xa0: {  	[sflag:s22] =	ssyncadd.s32 s4;
	_ =	sdelay $0x1  }
0xa1: {  	s23 =	simm.s32 $0x1B8B  }
0xa2: {  	_ =	swait.ge [sflag:s23], $0x1  }
0xa3: {  	[sflag:s23] =	ssyncset.done $0x0  }
0xa4: {  	s25 =	simm.s32 $0x1B8E;
	s24 =	sld [smem:$0x3FFE];
	[sflag:s23] =	ssyncadd.s32 $0xFFFFFFFF  }
0xa5: {  	s26 =	simm.s32 $execute0_lowered;
	[smem:$0x3FD2] =	sst s25  }
0xa6: {  	s5 =	sshll.u32 s26, $0x1;
	_ =	strace $0x80000046;
	[dreg:$0x1] =	wrdreg $0xFFFFFFFF  }
0xa7: {  	s28 =	simm.s32 $_size_execute0_lowered;
	s3 =	sadd.s32 s3, s5;
	[dreg:$0x0] =	wrdreg $0x0  }
0xa8: {  	s5 =	sshll.u32 s28, $0x1;
	[dreg:$0x2] =	wrdreg s3  }
0xa9: {  	[dreg:$0x3] =	wrdreg s5  }
0xaa: {  	[dreg:$0x4] =	wrdreg $0xC0  }
0xab: {  	_ =	task [dreg:s7], $0x5FFFF  }
0xac: {  	[dreg:$0x1] =	wrdreg $0xFFFFFFFF  }
0xad: {  	[dreg:$0x0] =	wrdreg $0x60  }
0xae: {  	[dreg:$0x2] =	wrdreg s2  }
0xaf: {  	[dreg:$0x3] =	wrdreg s24  }
0xb0: {  	[dreg:$0x4] =	wrdreg $0x9  }
0xb1: {  	_ =	task.clear_ibuf [dreg:s7], $0x5FFFF;
	_ =	strace $0x90000046  }
0xb2: {  	s29 =	simm.s32 $0x9;
	_ =	strace $0x80000048  }
0xb3: {  	_ =	swait.ge [sflag:s29], $0x1  }
0xb4: {  	[sflag:s29] =	ssyncadd.s32 $0xFFFFFFFF  }
0xb5: {  	_ =	strace $0x90000048  }
0xb6: {  	_ =	sfence  }
0xb7: {  	s30 =	sld [smem:$0x0];
	_ =	sdelay $0x2  }
0xb8: {  	s31 =	sshll.u32 s1, $0xD;
	s1 =	sshrl.u32 s1, $0x2  }
0xb9: {  	s3 =	sand.u32 $0x4000, s31;
	s1 =	sadd.s32 s1, s30  }
0xba: {  	s0 =	sor.u32 s3, s0;
	s1 =	sshll.u32 s1, $0x11  }
0xbb: {  	s0 =	sor.u32 s1, s0  }
0xbc: {  	s0 =	sadd.s32 $0x8F2B, s0  }
0xbd: {  	[sflag:s0] =	ssyncadd.remote.s32 $0x1  }
0xbe: {  	_ =	sfence.sel $0xFFFF  }
0xbf: {  	[dreg:$0x0] =	wrdreg $0xFFFFFFFF;
	(pc) =	sbr.abs _section_cstart, $3  }
0xc0: {  	[dreg:$0x1] =	wrdreg $0xFFFFFFFF  }
0xc1: {  	_ =	task.clear_ibuf [dreg:s7], $0x2FFFF;
	_ =	strace $0x9FFFFFFF  }
0xc2: {  	(tm) =	ssettm $0x7FFFFFFF  }
0xc3: {  	_ =	shalt  }
tec
execute0_lowered:
.L_overlay_start_1:
0x0: {  	(tag) =	ssettag $0x1  }
0x1: {  	s0 =	rddreg [dreg:$0x1];
	s1 =	srdreg.scid  }
0x2: {  	s2 =	stileid.u32;
	s3 =	simm.s32 $0x0;
	s9 =	simm.s32 $0x2  }
0x3: {  	s10 =	simm.s32 $0x1;
	s1 =	sand.u32 $0x1, s1;
	s2 =	sshll.u32 s2, $0x1  }
0x4: {  	[smem:$0x7FF] =	sst s3;
	s5 =	sadd.s32 $0x400, s0;
	s2 =	sor.u32 s1, s2  }
0x5: {  	s0 =	sadd.s32 $0x1E00, s0;
	s1 =	ssub.s32 $0x2, s1;
	s4 =	smul.u32 $0x190000, s2  }
0x6: {  	_ =	strace $0x80000047;
	s2 =	smul.u32 $0x32000, s2;
	s18 =	sshrl.u32 s1, $0x1  }
0x7: {  	[dreg:$0x3] =	wrdreg s5;
	s5 =	ssub.s32 s1, s18;
	s4 =	sshrl.u32 s4, $0x3  }
0x8: {  	s8 =	sadd.s32 s0, s2;
	s7 =	smax.u32 s5, $0x1;
	s5 =	simm.s32 $0x0  }
0x9: {  	s6 =	sadd.s32 s0, s4;
	s14 =	smov.u32 s8;
	s8 =	sadd.s32 $0x1900, s8  }
0xa: {  	s0 =	sadd.s32 $0x3200, s6;
	s19 =	sadd.s32 $0x4B00, s6;
	s20 =	sadd.s32 $0x6400, s6  }
0xb: {  	s21 =	sadd.s32 $0x7D00, s6;
	s22 =	sadd.s32 $0x9600, s6;
	[dreg:$0x4] =	wrdreg s0  }
0xc: {  	s23 =	sadd.s32 $0xAF00, s6;
	s24 =	sadd.s32 $0xC800, s6;
	[dreg:$0x5] =	wrdreg s19  }
0xd: {  	s25 =	sadd.s32 $0xE100, s6;
	s26 =	sadd.s32 $0xFA00, s6;
	[dreg:$0x6] =	wrdreg s20  }
0xe: {  	s15 =	sadd.s32 $0x11300, s6;
	s16 =	sadd.s32 $0x12C00, s6;
	[dreg:$0x7] =	wrdreg s21  }
0xf: {  	s17 =	sadd.s32 $0x14500, s6;
	s18 =	sadd.s32 $0x15E00, s6;
	[dreg:$0x8] =	wrdreg s22  }
0x10: {  	s28 =	sadd.s32 $0x23F00, s6;
	s29 =	sadd.s32 $0x25800, s6;
	[dreg:$0x9] =	wrdreg s23  }
0x11: {  	s30 =	sadd.s32 $0x27100, s6;
	s31 =	sadd.s32 $0x28A00, s6;
	[dreg:$0xa] =	wrdreg s24  }
0x12: {  	s1 =	sadd.s32 $0x2BC00, s6;
	s2 =	sadd.s32 $0x2D500, s6;
	[dreg:$0xb] =	wrdreg s25  }
0x13: {  	s4 =	sadd.s32 $0x2EE00, s6;
	[dreg:$0xc] =	wrdreg s26;
	s19 =	sadd.s32 $0x17700, s6  }
0x14: {  	s20 =	sadd.s32 $0x19000, s6;
	s21 =	sadd.s32 $0x1A900, s6;
	s22 =	sadd.s32 $0x1C200, s6  }
0x15: {  	s23 =	sadd.s32 $0x1DB00, s6;
	s24 =	sadd.s32 $0x1F400, s6;
	s25 =	sadd.s32 $0x20D00, s6  }
0x16: {  	s26 =	sadd.s32 $0x22600, s6;
	s0 =	sadd.s32 $0x2A300, s6;
	s6 =	sadd.s32 $0x30700, s6  }
.LBB2_1:
0x17: {  	s11 =	rddreg [dreg:$0x0]  }
0x18: {  	[tilespmem:s3], [sflag:$0x2] =	stream.linear.gather [hbm4b:s11+s3], $0xC800, $0x38;
	[tilespmem:$0x19000] =	vst v63  }
0x19: {  	_ =	swait.ge [sflag:s9], $0xC800  }
0x1a: {  	[sflag:s9] =	ssyncset.done $0x0  }
0x1b: {  	s12 =	simm.s32 $0xC800;
	s13 =	rddreg [dreg:$0x3];
	[sflag:s9] =	ssyncadd.s32 $0xFFFF3800  }
0x1c: {  	[tilespmem:s12], [sflag:$0x2] =	stream.linear.gather [hbm4b:s13+s3], $0xC800, $0x38;
	[tilespmem:$0x19000] =	vst v63  }
0x1d: {  	_ =	swait.ge [sflag:s9], $0xC800  }
0x1e: {  	[sflag:s9] =	ssyncset.done $0x0  }
0x1f: {  	s11 =	simm.s32 $0x0;
	[sflag:s9] =	ssyncadd.s32 $0xFFFF3800  }
0x20: {  	s12 =	simm.s32 $0x40;
	v0 =	vld [tilespmem:s11+$0xC800]  }
.LBB2_2:
0x21: {  	p0 =	sne.s32 s12, $0x31FC0;
	v1 =	vld [tilespmem:s11+$0x0];
	_ =	sdelay $0x2  }
.Ltmp0:
0x22: {  	(pc) =	sbr.rel @p0 .LBB2_2-.Ltmp0, $4  }
0x23: {  	_ = 	snop  }
0x24: {  	v1 =	vadd.f32 v0, v1  }
0x25: {  	s13 =	sshra.s32 s12, $0x2  }
0x26: {  	s12 =	sadd.s32 $0x40, s12;
	v0 =	vld [tilespmem:s13+$0xC800];
	[tilespmem:s11+$0x0] =	vst v1;
	s11 =	smov.u32 s13  }
0x27: {  	v1 =	vld [tilespmem:s11+$0x0];
	_ =	sdelay $0x4  }
0x28: {  	v0 =	vadd.f32 v0, v1;
	_ =	sdelay $0x1  }
0x29: {  	[tilespmem:s11+$0x0] =	vst v0  }
0x2a: {  	[hbm4b:s14+s3] =	stream.linear.scatter [tilespmem:s3], [sflag:$0x1], $0xC800, $0x38;
	[tilespmem:$0x19000] =	vst v63  }
0x2b: {  	_ = 	snop  }
0x2c: {  	[hbm4b:s8+s3] =	stream.linear.scatter [tilespmem:s3], [sflag:$0x1], $0xC800, $0x38;
	[tilespmem:$0x19000] =	vst v63  }
0x2d: {  	s13 =	rddreg [dreg:$0x4]  }
0x2e: {  	[hbm4b:s13+s3] =	stream.linear.scatter [tilespmem:s3], [sflag:$0x1], $0xC800, $0x38;
	[tilespmem:$0x19000] =	vst v63  }
0x2f: {  	s12 =	rddreg [dreg:$0x5]  }
0x30: {  	[hbm4b:s12+s3] =	stream.linear.scatter [tilespmem:s3], [sflag:$0x1], $0xC800, $0x38;
	[tilespmem:$0x19000] =	vst v63  }
0x31: {  	s13 =	rddreg [dreg:$0x6]  }
0x32: {  	[hbm4b:s13+s3] =	stream.linear.scatter [tilespmem:s3], [sflag:$0x1], $0xC800, $0x38;
	[tilespmem:$0x19000] =	vst v63  }
0x33: {  	s12 =	rddreg [dreg:$0x7]  }
0x34: {  	[hbm4b:s12+s3] =	stream.linear.scatter [tilespmem:s3], [sflag:$0x1], $0xC800, $0x38;
	[tilespmem:$0x19000] =	vst v63  }
0x35: {  	s13 =	rddreg [dreg:$0x8]  }
0x36: {  	[hbm4b:s13+s3] =	stream.linear.scatter [tilespmem:s3], [sflag:$0x1], $0xC800, $0x38;
	[tilespmem:$0x19000] =	vst v63  }
0x37: {  	s12 =	rddreg [dreg:$0x9]  }
0x38: {  	[hbm4b:s12+s3] =	stream.linear.scatter [tilespmem:s3], [sflag:$0x1], $0xC800, $0x38;
	[tilespmem:$0x19000] =	vst v63  }
0x39: {  	s13 =	rddreg [dreg:$0xa]  }
0x3a: {  	[hbm4b:s13+s3] =	stream.linear.scatter [tilespmem:s3], [sflag:$0x1], $0xC800, $0x38;
	[tilespmem:$0x19000] =	vst v63  }
0x3b: {  	s12 =	rddreg [dreg:$0xb]  }
0x3c: {  	[hbm4b:s12+s3] =	stream.linear.scatter [tilespmem:s3], [sflag:$0x1], $0xC800, $0x38;
	[tilespmem:$0x19000] =	vst v63  }
0x3d: {  	s13 =	rddreg [dreg:$0xc]  }
0x3e: {  	[hbm4b:s13+s3] =	stream.linear.scatter [tilespmem:s3], [sflag:$0x1], $0xC800, $0x38;
	[tilespmem:$0x19000] =	vst v63  }
0x3f: {  	_ = 	snop  }
0x40: {  	[hbm4b:s15+s3] =	stream.linear.scatter [tilespmem:s3], [sflag:$0x1], $0xC800, $0x38;
	[tilespmem:$0x19000] =	vst v63  }
0x41: {  	_ = 	snop  }
0x42: {  	[hbm4b:s16+s3] =	stream.linear.scatter [tilespmem:s3], [sflag:$0x1], $0xC800, $0x38;
	[tilespmem:$0x19000] =	vst v63  }
0x43: {  	_ = 	snop  }
0x44: {  	[hbm4b:s17+s3] =	stream.linear.scatter [tilespmem:s3], [sflag:$0x1], $0xC800, $0x38;
	[tilespmem:$0x19000] =	vst v63  }
0x45: {  	_ = 	snop  }
0x46: {  	[hbm4b:s18+s3] =	stream.linear.scatter [tilespmem:s3], [sflag:$0x1], $0xC800, $0x38;
	[tilespmem:$0x19000] =	vst v63  }
0x47: {  	_ = 	snop  }
0x48: {  	[hbm4b:s19+s3] =	stream.linear.scatter [tilespmem:s3], [sflag:$0x1], $0xC800, $0x38;
	[tilespmem:$0x19000] =	vst v63  }
0x49: {  	_ = 	snop  }
0x4a: {  	[hbm4b:s20+s3] =	stream.linear.scatter [tilespmem:s3], [sflag:$0x1], $0xC800, $0x38;
	[tilespmem:$0x19000] =	vst v63  }
0x4b: {  	_ = 	snop  }
0x4c: {  	[hbm4b:s21+s3] =	stream.linear.scatter [tilespmem:s3], [sflag:$0x1], $0xC800, $0x38;
	[tilespmem:$0x19000] =	vst v63  }
0x4d: {  	_ = 	snop  }
0x4e: {  	[hbm4b:s22+s3] =	stream.linear.scatter [tilespmem:s3], [sflag:$0x1], $0xC800, $0x38;
	[tilespmem:$0x19000] =	vst v63  }
0x4f: {  	_ = 	snop  }
0x50: {  	[hbm4b:s23+s3] =	stream.linear.scatter [tilespmem:s3], [sflag:$0x1], $0xC800, $0x38;
	[tilespmem:$0x19000] =	vst v63  }
0x51: {  	_ = 	snop  }
0x52: {  	[hbm4b:s24+s3] =	stream.linear.scatter [tilespmem:s3], [sflag:$0x1], $0xC800, $0x38;
	[tilespmem:$0x19000] =	vst v63  }
0x53: {  	_ = 	snop  }
0x54: {  	[hbm4b:s25+s3] =	stream.linear.scatter [tilespmem:s3], [sflag:$0x1], $0xC800, $0x38;
	[tilespmem:$0x19000] =	vst v63  }
0x55: {  	_ = 	snop  }
0x56: {  	[hbm4b:s26+s3] =	stream.linear.scatter [tilespmem:s3], [sflag:$0x1], $0xC800, $0x38;
	[tilespmem:$0x19000] =	vst v63  }
0x57: {  	_ = 	snop  }
0x58: {  	[hbm4b:s28+s3] =	stream.linear.scatter [tilespmem:s3], [sflag:$0x1], $0xC800, $0x38;
	[tilespmem:$0x19000] =	vst v63  }
0x59: {  	_ = 	snop  }
0x5a: {  	[hbm4b:s29+s3] =	stream.linear.scatter [tilespmem:s3], [sflag:$0x1], $0xC800, $0x38;
	[tilespmem:$0x19000] =	vst v63  }
0x5b: {  	_ = 	snop  }
0x5c: {  	[hbm4b:s30+s3] =	stream.linear.scatter [tilespmem:s3], [sflag:$0x1], $0xC800, $0x38;
	[tilespmem:$0x19000] =	vst v63  }
0x5d: {  	_ = 	snop  }
0x5e: {  	[hbm4b:s31+s3] =	stream.linear.scatter [tilespmem:s3], [sflag:$0x1], $0xC800, $0x38;
	[tilespmem:$0x19000] =	vst v63  }
0x5f: {  	_ = 	snop  }
0x60: {  	[hbm4b:s0+s3] =	stream.linear.scatter [tilespmem:s3], [sflag:$0x1], $0xC800, $0x38;
	[tilespmem:$0x19000] =	vst v63  }
0x61: {  	_ = 	snop  }
0x62: {  	[hbm4b:s1+s3] =	stream.linear.scatter [tilespmem:s3], [sflag:$0x1], $0xC800, $0x38;
	[tilespmem:$0x19000] =	vst v63  }
0x63: {  	_ = 	snop  }
0x64: {  	[hbm4b:s2+s3] =	stream.linear.scatter [tilespmem:s3], [sflag:$0x1], $0xC800, $0x38;
	[tilespmem:$0x19000] =	vst v63  }
0x65: {  	_ = 	snop  }
0x66: {  	[hbm4b:s4+s3] =	stream.linear.scatter [tilespmem:s3], [sflag:$0x1], $0xC800, $0x38;
	[tilespmem:$0x19000] =	vst v63  }
0x67: {  	_ = 	snop  }
0x68: {  	[hbm4b:s6+s3] =	stream.linear.scatter [tilespmem:s3], [sflag:$0x1], $0xC800, $0x38;
	[tilespmem:$0x19000] =	vst v63  }
0x69: {  	_ =	swait.ge [sflag:s10], $0xC800  }
0x6a: {  	[sflag:s10] =	ssyncset.done $0x0  }
0x6b: {  	[sflag:s10] =	ssyncadd.s32 $0xFFFF3800  }
0x6c: {  	_ =	swait.ge [sflag:s10], $0xC800  }
0x6d: {  	[sflag:s10] =	ssyncset.done $0x0  }
0x6e: {  	[sflag:s10] =	ssyncadd.s32 $0xFFFF3800  }
0x6f: {  	_ =	swait.ge [sflag:s10], $0xC800  }
0x70: {  	[sflag:s10] =	ssyncset.done $0x0  }
0x71: {  	[sflag:s10] =	ssyncadd.s32 $0xFFFF3800  }
0x72: {  	_ =	swait.ge [sflag:s10], $0xC800  }
0x73: {  	[sflag:s10] =	ssyncset.done $0x0  }
0x74: {  	[sflag:s10] =	ssyncadd.s32 $0xFFFF3800  }
0x75: {  	_ =	swait.ge [sflag:s10], $0xC800  }
0x76: {  	[sflag:s10] =	ssyncset.done $0x0  }
0x77: {  	[sflag:s10] =	ssyncadd.s32 $0xFFFF3800  }
0x78: {  	_ =	swait.ge [sflag:s10], $0xC800  }
0x79: {  	[sflag:s10] =	ssyncset.done $0x0  }
0x7a: {  	[sflag:s10] =	ssyncadd.s32 $0xFFFF3800  }
0x7b: {  	_ =	swait.ge [sflag:s10], $0xC800  }
0x7c: {  	[sflag:s10] =	ssyncset.done $0x0  }
0x7d: {  	[sflag:s10] =	ssyncadd.s32 $0xFFFF3800  }
0x7e: {  	_ =	swait.ge [sflag:s10], $0xC800  }
0x7f: {  	[sflag:s10] =	ssyncset.done $0x0  }
0x80: {  	[sflag:s10] =	ssyncadd.s32 $0xFFFF3800  }
0x81: {  	_ =	swait.ge [sflag:s10], $0xC800  }
0x82: {  	[sflag:s10] =	ssyncset.done $0x0  }
0x83: {  	[sflag:s10] =	ssyncadd.s32 $0xFFFF3800  }
0x84: {  	_ =	swait.ge [sflag:s10], $0xC800  }
0x85: {  	[sflag:s10] =	ssyncset.done $0x0  }
0x86: {  	[sflag:s10] =	ssyncadd.s32 $0xFFFF3800  }
0x87: {  	_ =	swait.ge [sflag:s10], $0xC800  }
0x88: {  	[sflag:s10] =	ssyncset.done $0x0  }
0x89: {  	[sflag:s10] =	ssyncadd.s32 $0xFFFF3800  }
0x8a: {  	_ =	swait.ge [sflag:s10], $0xC800  }
0x8b: {  	[sflag:s10] =	ssyncset.done $0x0  }
0x8c: {  	[sflag:s10] =	ssyncadd.s32 $0xFFFF3800  }
0x8d: {  	_ =	swait.ge [sflag:s10], $0xC800  }
0x8e: {  	[sflag:s10] =	ssyncset.done $0x0  }
0x8f: {  	[sflag:s10] =	ssyncadd.s32 $0xFFFF3800  }
0x90: {  	_ =	swait.ge [sflag:s10], $0xC800  }
0x91: {  	[sflag:s10] =	ssyncset.done $0x0  }
0x92: {  	[sflag:s10] =	ssyncadd.s32 $0xFFFF3800  }
0x93: {  	_ =	swait.ge [sflag:s10], $0xC800  }
0x94: {  	[sflag:s10] =	ssyncset.done $0x0  }
0x95: {  	[sflag:s10] =	ssyncadd.s32 $0xFFFF3800  }
0x96: {  	_ =	swait.ge [sflag:s10], $0xC800  }
0x97: {  	[sflag:s10] =	ssyncset.done $0x0  }
0x98: {  	[sflag:s10] =	ssyncadd.s32 $0xFFFF3800  }
0x99: {  	_ =	swait.ge [sflag:s10], $0xC800  }
0x9a: {  	[sflag:s10] =	ssyncset.done $0x0  }
0x9b: {  	[sflag:s10] =	ssyncadd.s32 $0xFFFF3800  }
0x9c: {  	_ =	swait.ge [sflag:s10], $0xC800  }
0x9d: {  	[sflag:s10] =	ssyncset.done $0x0  }
0x9e: {  	[sflag:s10] =	ssyncadd.s32 $0xFFFF3800  }
0x9f: {  	_ =	swait.ge [sflag:s10], $0xC800  }
0xa0: {  	[sflag:s10] =	ssyncset.done $0x0  }
0xa1: {  	[sflag:s10] =	ssyncadd.s32 $0xFFFF3800  }
0xa2: {  	_ =	swait.ge [sflag:s10], $0xC800  }
0xa3: {  	[sflag:s10] =	ssyncset.done $0x0  }
0xa4: {  	[sflag:s10] =	ssyncadd.s32 $0xFFFF3800  }
0xa5: {  	_ =	swait.ge [sflag:s10], $0xC800  }
0xa6: {  	[sflag:s10] =	ssyncset.done $0x0  }
0xa7: {  	[sflag:s10] =	ssyncadd.s32 $0xFFFF3800  }
0xa8: {  	_ =	swait.ge [sflag:s10], $0xC800  }
0xa9: {  	[sflag:s10] =	ssyncset.done $0x0  }
0xaa: {  	[sflag:s10] =	ssyncadd.s32 $0xFFFF3800  }
0xab: {  	_ =	swait.ge [sflag:s10], $0xC800  }
0xac: {  	[sflag:s10] =	ssyncset.done $0x0  }
0xad: {  	[sflag:s10] =	ssyncadd.s32 $0xFFFF3800  }
0xae: {  	_ =	swait.ge [sflag:s10], $0xC800  }
0xaf: {  	[sflag:s10] =	ssyncset.done $0x0  }
0xb0: {  	[sflag:s10] =	ssyncadd.s32 $0xFFFF3800  }
0xb1: {  	_ =	swait.ge [sflag:s10], $0xC800  }
0xb2: {  	[sflag:s10] =	ssyncset.done $0x0  }
0xb3: {  	[sflag:s10] =	ssyncadd.s32 $0xFFFF3800  }
0xb4: {  	_ =	swait.ge [sflag:s10], $0xC800  }
0xb5: {  	[sflag:s10] =	ssyncset.done $0x0  }
0xb6: {  	[sflag:s10] =	ssyncadd.s32 $0xFFFF3800  }
0xb7: {  	_ =	swait.ge [sflag:s10], $0xC800  }
0xb8: {  	[sflag:s10] =	ssyncset.done $0x0  }
0xb9: {  	[sflag:s10] =	ssyncadd.s32 $0xFFFF3800  }
0xba: {  	_ =	swait.ge [sflag:s10], $0xC800  }
0xbb: {  	[sflag:s10] =	ssyncset.done $0x0  }
0xbc: {  	[sflag:s10] =	ssyncadd.s32 $0xFFFF3800  }
0xbd: {  	_ =	swait.ge [sflag:s10], $0xC800  }
0xbe: {  	[sflag:s10] =	ssyncset.done $0x0  }
0xbf: {  	[sflag:s10] =	ssyncadd.s32 $0xFFFF3800  }
0xc0: {  	_ =	swait.ge [sflag:s10], $0xC800  }
0xc1: {  	[sflag:s10] =	ssyncset.done $0x0  }
0xc2: {  	s5 =	sadd.s32 $0x1, s5;
	[sflag:s10] =	ssyncadd.s32 $0xFFFF3800  }
0xc3: {  	p0 =	sne.s32 s5, s7;
	_ =	swait.ge [sflag:s10], $0xC800  }
.Ltmp1:
0xc4: {  	[sflag:s10] =	ssyncset.done $0x0;
	(pc) =	sbr.rel @p0 .LBB2_1-.Ltmp1, $4  }
0xc5: {  	[sflag:s10] =	ssyncadd.s32 $0xFFFF3800  }
0xc6: {  	_ =	swait.ge [sflag:s10], $0xC800  }
0xc7: {  	[sflag:s10] =	ssyncset.done $0x0  }
0xc8: {  	[sflag:s10] =	ssyncadd.s32 $0xFFFF3800  }
0xc9: {  	_ =	sfence.sel $0x180000  }
0xca: {  	[bflag:$0x0] =	sbarrier.arrive $0xFFFF  }
0xcb: {  	_ =	strace $0x90000047  }
0xcc: {  	s0 =	stileid.u32;
	[bflag:$0x2] =	sbarrier.arrive $0xFFFF  }
0xcd: {  	p0 =	sne.s32 s0, $0x0;
	s0 =	rddreg [dreg:$0x2]  }
0xce: {  	s0 =	sadd.s32 @!p0 $0x100000, s0  }
0xcf: {  	[sflag:s0] =	ssyncadd.tile.s32 @!p0 $0x1;
	_ =	shalt  }
.Lfunc_end2:
_tile_overlayer_lowered:
.L_overlay_start_2:
0xd0: {  	(tag) =	ssettag $0x2  }
0xd1: {  	s0 =	rddreg [dreg:$0x0];
	s2 =	stileid.u32  }
0xd2: {  	s1 =	rddreg [dreg:$0x1];
	p0 =	sne.s32 s2, $0x0  }
0xd3: {  	s3 =	rddreg [dreg:$0x2];
	[bflag:$0x3] =	sbarrier.arrive $0xFFFF;
	s2 =	simm.s32 @!p0 $0x1C02  }
0xd4: {  	[timem:s3], [sflag:s2] =	dma.local @!p0 [hbm:s0], s1  }
0xd5: {  	s0 =	simm.s32 @!p0 $0x2  }
0xd6: {  	_ =	swait.ge @!p0 [sflag:s0], s1  }
0xd7: {  	s1 =	ssub.s32 @!p0 $0x0, s1;
	[sflag:s0] =	ssyncset.done @!p0 $0x0  }
0xd8: {  	[sflag:s0] =	ssyncadd.s32 @!p0 s1  }
0xd9: {  	[bflag:$0x3] =	sbarrier.arrive $0xFFFF  }
0xda: {  	_ =	shalt  }

</sc_bundles>
